<compile_context>
chip_gen: v7x
topology: tpu7x:2x2x1
jax: 0.10.2.dev20260603
libtpu: 0.0.44.dev20260713+nightly
codegen_flags: <defaults>
</compile_context>

<pallas_src>
import functools

import jax
import jax.numpy as jnp
from jax import lax
from jax.experimental import pallas as pl
from jax.experimental.pallas import tpu as pltpu
from jax.experimental.pallas import tpu_sc as plsc

N_NODES = 10000
N_EDGES = 320000
D = 128
N_GRAPHS = 64

NC = 2
NS = 16
K = 80
EPW = N_EDGES // (NC * NS)
CHUNKS = EPW // K
N_PAD = 10240
RPS = N_PAD // NS

_mesh = plsc.VectorSubcoreMesh(core_axis_name="c", subcore_axis_name="s")


def _sc_degree(dst3, onehot, zrows):

    NB = 5

    @functools.partial(
        pl.kernel,
        out_type=jax.ShapeDtypeStruct((NC, N_PAD, D), jnp.float32),
        mesh=_mesh,
        scratch_types=(
            [pltpu.VMEM((CHUNKS, K), jnp.int32),
             pltpu.VMEM((K, D), jnp.float32),
             pltpu.VMEM_SHARED((N_PAD, D), jnp.float32)]
            + [pltpu.SemaphoreType.DMA] * NB
        ),
    )
    def k(dst_hbm, oh_hbm, z_hbm, out_hbm, dst_v, ones_v, acc, *ssems):
        cid = lax.axis_index("c")
        sid = lax.axis_index("s")
        w = cid * NS + sid
        pltpu.sync_copy(oh_hbm, ones_v)
        pltpu.sync_copy(dst_hbm.at[w], dst_v)
        pltpu.sync_copy(z_hbm, acc.at[pl.ds(sid * RPS, RPS)])
        plsc.subcore_barrier()

        def s_wait(c, b):
            pltpu.make_async_copy(ones_v, acc.at[dst_v.at[c]],
                                  ssems[b]).wait()

        @pl.loop(0, CHUNKS // NB)
        def _(i):
            for b in range(NB):
                c = i * NB + b

                @pl.when(c >= NB)
                def _():
                    s_wait(c - NB, b)

                pltpu.async_copy(ones_v, acc.at[dst_v.at[c]], ssems[b],
                                 add=True)

        for b in range(NB):
            s_wait(CHUNKS - NB + b, b)
        plsc.subcore_barrier()
        pltpu.sync_copy(acc.at[pl.ds(sid * RPS, RPS)],
                        out_hbm.at[cid, pl.ds(sid * RPS, RPS)])

    return k(dst3, onehot, zrows)


def _sc_aggregate(t, src, dst3, zrows):

    NB = 3

    @functools.partial(
        pl.kernel,
        out_type=jax.ShapeDtypeStruct((NC, N_PAD, D), jnp.float32),
        mesh=_mesh,
        scratch_types=(
            [pltpu.VMEM((CHUNKS, K), jnp.int32)]
            + [pltpu.VMEM((K,), jnp.int32)] * NB
            + [pltpu.VMEM((K, D), jnp.float32)] * NB
            + [pltpu.VMEM_SHARED((N_PAD, D), jnp.float32)]
            + [pltpu.SemaphoreType.DMA] * (3 * NB)
        ),
    )
    def k(t_hbm, src_hbm, dst_hbm, z_hbm, out_hbm, dst_v, *rest):
        isrc = rest[:NB]
        rows = rest[NB:2 * NB]
        acc = rest[2 * NB]
        isems = rest[2 * NB + 1:2 * NB + 1 + NB]
        gsems = rest[2 * NB + 1 + NB:2 * NB + 1 + 2 * NB]
        ssems = rest[2 * NB + 1 + 2 * NB:]
        cid = lax.axis_index("c")
        sid = lax.axis_index("s")
        w = cid * NS + sid
        ebase = w * EPW
        pltpu.sync_copy(dst_hbm.at[w], dst_v)

        def i_start(c, b):
            pltpu.async_copy(src_hbm.at[pl.ds(ebase + c * K, K)], isrc[b],
                             isems[b])

        def i_wait(c, b):
            pltpu.make_async_copy(src_hbm.at[pl.ds(ebase + c * K, K)],
                                  isrc[b], isems[b]).wait()

        def g_start(b):
            pltpu.async_copy(t_hbm.at[isrc[b]], rows[b], gsems[b])

        def g_wait(b):
            pltpu.make_async_copy(t_hbm.at[isrc[b]], rows[b],
                                  gsems[b]).wait()

        def s_start(c, b):
            pltpu.async_copy(rows[b], acc.at[dst_v.at[c]], ssems[b],
                             add=True)

        def s_wait(c, b):
            pltpu.make_async_copy(rows[b], acc.at[dst_v.at[c]],
                                  ssems[b]).wait()

        i_start(0, 0)
        i_start(1, 1)
        i_wait(0, 0)
        g_start(0)
        pltpu.sync_copy(z_hbm, acc.at[pl.ds(sid * RPS, RPS)])
        plsc.subcore_barrier()

        def step(c, b, cond):
            b1 = (c + 1) % NB if isinstance(c, int) else (b + 1) % NB
            b2 = (c + 2) % NB if isinstance(c, int) else (b + 2) % NB
            cond(c + 2 <= CHUNKS - 1, lambda: i_start(c + 2, b2))
            cond(c >= 2, lambda: s_wait(c - 2, b1))
            cond(c + 1 <= CHUNKS - 1,
                 lambda: (i_wait(c + 1, b1), g_start(b1)))
            g_wait(b)
            s_start(c, b)

        def t_cond(pred, fn):
            pl.when(pred)(lambda: (fn(), None)[1])

        def p_cond(pred, fn):
            if pred:
                fn()

        @pl.loop(0, (CHUNKS - 2) // NB)
        def _(i):
            for b in range(NB):
                step(i * NB + b, b, t_cond)

        for c in range(CHUNKS - 2, CHUNKS):
            step(c, c % NB, p_cond)
        for c in range(CHUNKS - 2, CHUNKS):
            s_wait(c, c % NB)
        plsc.subcore_barrier()
        pltpu.sync_copy(acc.at[pl.ds(sid * RPS, RPS)],
                        out_hbm.at[cid, pl.ds(sid * RPS, RPS)])

    return k(t, src, dst3, zrows)


def _dinv(dp):
    deg = 1.0 + dp[0, :N_NODES, 0:1] + dp[1, :N_NODES, 0:1]
    return lax.rsqrt(deg)


def _tc_pre(x, W_init, b_init, W1):
    def body(x_ref, wi_ref, bi_ref, w1_ref, o_ref):
        h = jnp.maximum(
            jnp.dot(x_ref[...], wi_ref[...],
                    preferred_element_type=jnp.float32) + bi_ref[...], 0.0)
        o_ref[...] = jnp.dot(h, w1_ref[...],
                             preferred_element_type=jnp.float32)

    return pl.pallas_call(
        body,
        out_shape=jax.ShapeDtypeStruct((N_NODES, D), jnp.float32),
    )(x, W_init, b_init.reshape(1, D), W1)


def _tc_scale(t, dp):
    def body(t_ref, dp_ref, o_ref):
        o_ref[...] = t_ref[...] * _dinv(dp_ref)

    return pl.pallas_call(
        body,
        out_shape=jax.ShapeDtypeStruct((N_NODES, D), jnp.float32),
    )(t, dp)


def _tc_mid(p, t, dp, b, W):
    def body(p_ref, t_ref, dp_ref, b_ref, w_ref, o_ref):
        dinv = _dinv(dp_ref)
        agg = p_ref[0, :N_NODES, :] + p_ref[1, :N_NODES, :] + t_ref[...]
        h = jnp.maximum(agg * dinv + b_ref[...], 0.0)
        o_ref[...] = jnp.dot(h, w_ref[...],
                             preferred_element_type=jnp.float32) * dinv

    return pl.pallas_call(
        body,
        out_shape=jax.ShapeDtypeStruct((N_NODES, D), jnp.float32),
    )(p, t, dp, b.reshape(1, D), W)


def _tc_post(p, t, dp, b, batch_row, W_out, b_out):
    def body(p_ref, t_ref, dp_ref, b_ref, batch_ref, wo_ref, bo_ref, o_ref):
        dinv = _dinv(dp_ref)
        agg = p_ref[0, :N_NODES, :] + p_ref[1, :N_NODES, :] + t_ref[...]
        h = jnp.maximum(agg * dinv + b_ref[...], 0.0)
        gid = lax.broadcasted_iota(jnp.int32, (N_GRAPHS, N_NODES), 0)
        maskT = jnp.where(batch_ref[...] == gid, 1.0, 0.0)
        sums = jnp.dot(maskT, h, preferred_element_type=jnp.float32)
        ones = jnp.ones((N_NODES, 8), jnp.float32)
        counts = jnp.dot(maskT, ones,
                         preferred_element_type=jnp.float32)[:, 0:1]
        g = sums / jnp.maximum(counts, 1.0)
        o_ref[...] = jnp.dot(g, wo_ref[...],
                             preferred_element_type=jnp.float32) + bo_ref[...]

    return pl.pallas_call(
        body,
        out_shape=jax.ShapeDtypeStruct((N_GRAPHS, D), jnp.float32),
    )(p, t, dp, b.reshape(1, D), batch_row, W_out, b_out.reshape(1, D))


def kernel(x, edge_index, batch, W_init, b_init, W1, b1, W2, b2, W_out, b_out):
    src = edge_index[0].astype(jnp.int32)
    dst = edge_index[1].astype(jnp.int32)
    batch_row = batch.astype(jnp.int32).reshape(1, N_NODES)

    onehot = jnp.zeros((K, D), jnp.float32).at[:, 0].set(1.0)
    z128 = jnp.zeros((RPS, D), jnp.float32)

    dst3 = dst.reshape(NC * NS, CHUNKS, K)

    dp = _sc_degree(dst3, onehot, z128)
    tpre = _tc_pre(x, W_init, b_init, W1)
    t1 = _tc_scale(tpre, dp)
    p1 = _sc_aggregate(t1, src, dst3, z128)
    t2 = _tc_mid(p1, t1, dp, b1, W2)
    p2 = _sc_aggregate(t2, src, dst3, z128)
    return _tc_post(p2, t2, dp, b2, batch_row, W_out, b_out)

# --- scband reference (transcript-rebuilt; emitter-appended) ---
"""Pipeline reference for scband-scene-graph-embedding-50337016709803 (READ-ONLY COPY).

The authoritative reference and input builder live on the scoring server;
editing this copy changes nothing except your own understanding.
"""

import jax, jax.numpy as jnp
import numpy as np

N_NODES = 10000
N_EDGES = 320000
D_IN = 128
D_HID = 128
D_OUT = 128
N_GRAPHS = 64


def gcn_conv(x, src, dst, W, b, num_nodes):
    # PyG GCNConv: add self-loops, symmetric normalization, x' = D^-1/2 (A+I) D^-1/2 X W + b
    loop = jnp.arange(num_nodes, dtype=src.dtype)
    src_sl = jnp.concatenate([src, loop])
    dst_sl = jnp.concatenate([dst, loop])
    deg = jnp.zeros((num_nodes,), dtype=x.dtype).at[dst_sl].add(1.0)
    deg_inv_sqrt = jnp.where(deg > 0, deg ** -0.5, 0.0)
    norm = deg_inv_sqrt[src_sl] * deg_inv_sqrt[dst_sl]
    h = x @ W
    msg = h[src_sl] * norm[:, None]
    out = jnp.zeros((num_nodes, W.shape[1]), dtype=x.dtype).at[dst_sl].add(msg)
    return out + b


def global_mean_pool(x, batch, num_graphs):
    sums = jax.ops.segment_sum(x, batch, num_segments=num_graphs)
    counts = jax.ops.segment_sum(jnp.ones((x.shape[0],), dtype=x.dtype), batch, num_segments=num_graphs)
    return sums / jnp.clip(counts, 1.0, None)[:, None]


def setup_inputs(seed: int = 0) -> dict:
    key = jax.random.key(seed)
    ks = jax.random.split(key, 12)
    x = jax.random.normal(ks[0], (N_NODES, D_IN), dtype=jnp.float32)
    edge_index = jax.random.randint(ks[1], (2, N_EDGES), 0, N_NODES, dtype=jnp.int64 if jax.config.jax_enable_x64 else jnp.int32)
    batch = jnp.sort(jax.random.randint(ks[2], (N_NODES,), 0, N_GRAPHS, dtype=jnp.int64 if jax.config.jax_enable_x64 else jnp.int32))
    def lin(k, fan_in, fan_out):
        bound = 1.0 / np.sqrt(fan_in)
        kw, kb = jax.random.split(k)
        W = jax.random.uniform(kw, (fan_in, fan_out), minval=-bound, maxval=bound, dtype=jnp.float32)
        b = jax.random.uniform(kb, (fan_out,), minval=-bound, maxval=bound, dtype=jnp.float32)
        return W, b
    W_init, b_init = lin(ks[3], D_IN, D_HID)
    W1, b1 = lin(ks[4], D_HID, D_HID)
    W2, b2 = lin(ks[5], D_HID, D_HID)
    W_out, b_out = lin(ks[6], D_HID, D_OUT)
    return {"x": x, "edge_index": edge_index, "batch": batch,
            "W_init": W_init, "b_init": b_init,
            "W1": W1, "b1": b1, "W2": W2, "b2": b2,
            "W_out": W_out, "b_out": b_out}


def reference(x, edge_index, batch, W_init, b_init, W1, b1, W2, b2, W_out, b_out):
    num_nodes = x.shape[0]
    src, dst = edge_index[0], edge_index[1]
    h = jax.nn.relu(x @ W_init + b_init)
    h = jax.nn.relu(gcn_conv(h, src, dst, W1, b1, num_nodes))
    h = jax.nn.relu(gcn_conv(h, src, dst, W2, b2, num_nodes))
    g = global_mean_pool(h, batch, N_GRAPHS)
    return g @ W_out + b_out

if __name__ == "__main__":
    import jax
    _d = setup_inputs()
    print(jax.jit(kernel)(*tuple(_d.values())))

</pallas_src>

<mosaic_0001>
#map = affine_map<(d0, d1) -> (0, 0, 0)>
#map1 = affine_map<(d0, d1) -> (0, 0)>
module attributes {stable_mosaic.version = 14 : i64} {
  func.func @k(%arg0: i32, %arg1: i32, %arg2: memref<32x125x80xi32, #tpu.memory_space<hbm>>, %arg3: memref<80x128xf32, #tpu.memory_space<hbm>>, %arg4: memref<640x128xf32, #tpu.memory_space<hbm>>, %arg5: memref<2x10240x128xf32, #tpu.memory_space<hbm>>, %arg6: memref<125x80xi32, #tpu.memory_space<vmem>>, %arg7: memref<80x128xf32, #tpu.memory_space<vmem>>, %arg8: memref<10240x128xf32, #tpu.memory_space<vmem_shared>>, %arg9: memref<!tpu.dma_semaphore, #tpu.memory_space<semaphore_mem>>, %arg10: memref<!tpu.dma_semaphore, #tpu.memory_space<semaphore_mem>>, %arg11: memref<!tpu.dma_semaphore, #tpu.memory_space<semaphore_mem>>, %arg12: memref<!tpu.dma_semaphore, #tpu.memory_space<semaphore_mem>>, %arg13: memref<!tpu.dma_semaphore, #tpu.memory_space<semaphore_mem>>) attributes {dimension_semantics = [#tpu.dimension_semantics<core_parallel>, #tpu.dimension_semantics<subcore_parallel>], iteration_bounds = array<i64: 2, 16>, scalar_prefetch = 0 : i64, scratch_operands = 8 : i64, tpu.core_type = #tpu.core_type<sc_vector_subcore>, window_params = [{transform_indices = #map}, {transform_indices = #map1}, {transform_indices = #map1}, {transform_indices = #map}]} {
    %mul3A = arith.constant 16 : i32
    %mul3A_0 = arith.muli %arg0, %mul3A : i32
    %add3A = arith.addi %mul3A_0, %arg1 : i32
    "tpu.region"() ({
      %run_scoped3A = tpu.sem_alloc : memref<!tpu.dma_semaphore, #tpu.memory_space<semaphore_mem>>
      tpu.enqueue_dma source(%arg3 : memref<80x128xf32, #tpu.memory_space<hbm>>) target(%arg7 : memref<80x128xf32, #tpu.memory_space<vmem>>) target_semaphore(%run_scoped3A : memref<!tpu.dma_semaphore, #tpu.memory_space<semaphore_mem>>)
      tpu.wait_dma2 semaphore(%run_scoped3A : memref<!tpu.dma_semaphore, #tpu.memory_space<semaphore_mem>>) src(%arg3 : memref<80x128xf32, #tpu.memory_space<hbm>>) dst(%arg7 : memref<80x128xf32, #tpu.memory_space<vmem>>)
      tpu.yield
    }) : () -> ()
    "tpu.region"() ({
      %run_scoped3A = tpu.sem_alloc : memref<!tpu.dma_semaphore, #tpu.memory_space<semaphore_mem>>
      %dma_start3A = arith.constant 0 : i32
      %dma_start3A_46 = arith.constant 0 : i32
      %dma_start3A_47 = tpu.memref_slice %arg2[%add3A, %dma_start3A, %dma_start3A_46] : memref<32x125x80xi32, #tpu.memory_space<hbm>> -> memref<1x125x80xi32, #tpu.memory_space<hbm>>
      %dma_start3A_48 = tpu.memref_squeeze %dma_start3A_47 : memref<1x125x80xi32, #tpu.memory_space<hbm>> -> memref<125x80xi32, #tpu.memory_space<hbm>>
      %dma_start3A_49 = arith.constant 0 : i32
      %dma_start3A_50 = arith.constant 0 : i32
      %dma_start3A_51 = tpu.memref_slice %arg2[%add3A, %dma_start3A_49, %dma_start3A_50] : memref<32x125x80xi32, #tpu.memory_space<hbm>> -> memref<1x125x80xi32, #tpu.memory_space<hbm>>
      %dma_start3A_52 = tpu.memref_squeeze %dma_start3A_51 : memref<1x125x80xi32, #tpu.memory_space<hbm>> -> memref<125x80xi32, #tpu.memory_space<hbm>>
      tpu.enqueue_dma source(%dma_start3A_52 : memref<125x80xi32, #tpu.memory_space<hbm>>) target(%arg6 : memref<125x80xi32, #tpu.memory_space<vmem>>) target_semaphore(%run_scoped3A : memref<!tpu.dma_semaphore, #tpu.memory_space<semaphore_mem>>)
      %dma_wait3A_53 = arith.constant 0 : i32
      %dma_wait3A_54 = arith.constant 0 : i32
      %dma_wait3A_55 = tpu.memref_slice %arg2[%add3A, %dma_wait3A_53, %dma_wait3A_54] : memref<32x125x80xi32, #tpu.memory_space<hbm>> -> memref<1x125x80xi32, #tpu.memory_space<hbm>>
      %dma_wait3A_56 = tpu.memref_squeeze %dma_wait3A_55 : memref<1x125x80xi32, #tpu.memory_space<hbm>> -> memref<125x80xi32, #tpu.memory_space<hbm>>
      %dma_wait3A_57 = arith.constant 0 : i32
      %dma_wait3A_58 = arith.constant 0 : i32
      %dma_wait3A_59 = tpu.memref_slice %arg2[%add3A, %dma_wait3A_57, %dma_wait3A_58] : memref<32x125x80xi32, #tpu.memory_space<hbm>> -> memref<1x125x80xi32, #tpu.memory_space<hbm>>
      %dma_wait3A_60 = tpu.memref_squeeze %dma_wait3A_59 : memref<1x125x80xi32, #tpu.memory_space<hbm>> -> memref<125x80xi32, #tpu.memory_space<hbm>>
      tpu.wait_dma2 semaphore(%run_scoped3A : memref<!tpu.dma_semaphore, #tpu.memory_space<semaphore_mem>>) src(%dma_wait3A_60 : memref<125x80xi32, #tpu.memory_space<hbm>>) dst(%arg6 : memref<125x80xi32, #tpu.memory_space<vmem>>)
      tpu.yield
    }) : () -> ()
    %mul3A_1 = arith.constant 640 : i32
    %mul3A_2 = arith.muli %arg1, %mul3A_1 : i32
    "tpu.region"() ({
      %run_scoped3A = tpu.sem_alloc : memref<!tpu.dma_semaphore, #tpu.memory_space<semaphore_mem>>
      %dma_start3A = arith.constant 0 : i32
      %dma_start3A_46 = tpu.memref_slice %arg8[%mul3A_2, %dma_start3A] : memref<10240x128xf32, #tpu.memory_space<vmem_shared>> -> memref<640x128xf32, #tpu.memory_space<vmem_shared>>
      tpu.enqueue_dma source(%arg4 : memref<640x128xf32, #tpu.memory_space<hbm>>) target(%dma_start3A_46 : memref<640x128xf32, #tpu.memory_space<vmem_shared>>) target_semaphore(%run_scoped3A : memref<!tpu.dma_semaphore, #tpu.memory_space<semaphore_mem>>)
      %dma_wait3A_47 = arith.constant 0 : i32
      %dma_wait3A_48 = tpu.memref_slice %arg8[%mul3A_2, %dma_wait3A_47] : memref<10240x128xf32, #tpu.memory_space<vmem_shared>> -> memref<640x128xf32, #tpu.memory_space<vmem_shared>>
      tpu.wait_dma2 semaphore(%run_scoped3A : memref<!tpu.dma_semaphore, #tpu.memory_space<semaphore_mem>>) src(%arg4 : memref<640x128xf32, #tpu.memory_space<hbm>>) dst(%dma_wait3A_48 : memref<640x128xf32, #tpu.memory_space<vmem_shared>>)
      tpu.yield
    }) : () -> ()
    %barrier3A = arith.constant 0 : index
    tpu.barrier barrier_id(%barrier3A)
    %scan3A = arith.constant 0 : i32
    %scan3A_3 = arith.constant 25 : i32
    %scan3A_4 = arith.addi %scan3A, %scan3A_3 : i32
    %scan3A_5 = arith.constant 1 : i32
    scf.for %scan3A_46 = %scan3A to %scan3A_4 step %scan3A_5  : i32 {
      %mul3A_47 = arith.constant 1 : i32
      %mul3A_48 = arith.muli %scan3A_46, %mul3A_47 : i32
      %add3A_49 = arith.constant 0 : i32
      %add3A_50 = arith.addi %add3A_49, %mul3A_48 : i32
      %mul3A_51 = arith.constant 5 : i32
      %mul3A_52 = arith.muli %add3A_50, %mul3A_51 : i32
      %add3A_53 = arith.constant 0 : i32
      %add3A_54 = arith.addi %mul3A_52, %add3A_53 : i32
      %ge3A = arith.constant 5 : i32
      %ge3A_55 = arith.cmpi sge, %add3A_54, %ge3A : i32
      %convert_element_type3A = arith.extui %ge3A_55 : i1 to i32
      %cond3A = arith.constant 0 : i32
      %cond3A_56 = arith.cmpi ne, %convert_element_type3A, %cond3A : i32
      scf.if %cond3A_56 {
        %sub3A = arith.constant 5 : i32
        %sub3A_122 = arith.subi %add3A_54, %sub3A : i32
        %dma_wait3A_123 = arith.constant 0 : i32
        %dma_wait3A_124 = tpu.memref_slice %arg6[%sub3A_122, %dma_wait3A_123] : memref<125x80xi32, #tpu.memory_space<vmem>> -> memref<1x80xi32, #tpu.memory_space<vmem>>
        %dma_wait3A_125 = tpu.memref_squeeze %dma_wait3A_124 : memref<1x80xi32, #tpu.memory_space<vmem>> -> memref<80xi32, #tpu.memory_space<vmem>>
        %dma_wait3A_126 = arith.constant 0 : i32
        %dma_wait3A_127 = arith.constant 0 : i32
        %dma_wait3A_128 = tpu.memref_slice %arg8[%dma_wait3A_126, %dma_wait3A_127] : memref<10240x128xf32, #tpu.memory_space<vmem_shared>> -> memref<10240x128xf32, #tpu.memory_space<vmem_shared>>
        tpu.wait_indirect_dma semaphore(%arg9 : memref<!tpu.dma_semaphore, #tpu.memory_space<semaphore_mem>>) src(%arg7 : memref<80x128xf32, #tpu.memory_space<vmem>>) dst(%dma_wait3A_128 : memref<10240x128xf32, #tpu.memory_space<vmem_shared>>)
      } else {
      }
      %dma_start3A = arith.constant 0 : i32
      %dma_start3A_57 = tpu.memref_slice %arg6[%add3A_54, %dma_start3A] : memref<125x80xi32, #tpu.memory_space<vmem>> -> memref<1x80xi32, #tpu.memory_space<vmem>>
      %dma_start3A_58 = tpu.memref_squeeze %dma_start3A_57 : memref<1x80xi32, #tpu.memory_space<vmem>> -> memref<80xi32, #tpu.memory_space<vmem>>
      %dma_start3A_59 = arith.constant 0 : i32
      %dma_start3A_60 = arith.constant 0 : i32
      %dma_start3A_61 = tpu.memref_slice %arg8[%dma_start3A_59, %dma_start3A_60] : memref<10240x128xf32, #tpu.memory_space<vmem_shared>> -> memref<10240x128xf32, #tpu.memory_space<vmem_shared>>
      tpu.enqueue_indirect_dma source(%arg7 : memref<80x128xf32, #tpu.memory_space<vmem>>) target(%dma_start3A_61 : memref<10240x128xf32, #tpu.memory_space<vmem_shared>>) offsets(%dma_start3A_58 : memref<80xi32, #tpu.memory_space<vmem>>) semaphore(%arg9 : memref<!tpu.dma_semaphore, #tpu.memory_space<semaphore_mem>>) {add = true}
      %mul3A_62 = arith.constant 5 : i32
      %mul3A_63 = arith.muli %add3A_50, %mul3A_62 : i32
      %add3A_64 = arith.constant 1 : i32
      %add3A_65 = arith.addi %mul3A_63, %add3A_64 : i32
      %ge3A_66 = arith.constant 5 : i32
      %ge3A_67 = arith.cmpi sge, %add3A_65, %ge3A_66 : i32
      %convert_element_type3A_68 = arith.extui %ge3A_67 : i1 to i32
      %cond3A_69 = arith.constant 0 : i32
      %cond3A_70 = arith.cmpi ne, %convert_element_type3A_68, %cond3A_69 : i32
      scf.if %cond3A_70 {
        %sub3A = arith.constant 5 : i32
        %sub3A_122 = arith.subi %add3A_65, %sub3A : i32
        %dma_wait3A_123 = arith.constant 0 : i32
        %dma_wait3A_124 = tpu.memref_slice %arg6[%sub3A_122, %dma_wait3A_123] : memref<125x80xi32, #tpu.memory_space<vmem>> -> memref<1x80xi32, #tpu.memory_space<vmem>>
        %dma_wait3A_125 = tpu.memref_squeeze %dma_wait3A_124 : memref<1x80xi32, #tpu.memory_space<vmem>> -> memref<80xi32, #tpu.memory_space<vmem>>
        %dma_wait3A_126 = arith.constant 0 : i32
        %dma_wait3A_127 = arith.constant 0 : i32
        %dma_wait3A_128 = tpu.memref_slice %arg8[%dma_wait3A_126, %dma_wait3A_127] : memref<10240x128xf32, #tpu.memory_space<vmem_shared>> -> memref<10240x128xf32, #tpu.memory_space<vmem_shared>>
        tpu.wait_indirect_dma semaphore(%arg10 : memref<!tpu.dma_semaphore, #tpu.memory_space<semaphore_mem>>) src(%arg7 : memref<80x128xf32, #tpu.memory_space<vmem>>) dst(%dma_wait3A_128 : memref<10240x128xf32, #tpu.memory_space<vmem_shared>>)
      } else {
      }
      %dma_start3A_71 = arith.constant 0 : i32
      %dma_start3A_72 = tpu.memref_slice %arg6[%add3A_65, %dma_start3A_71] : memref<125x80xi32, #tpu.memory_space<vmem>> -> memref<1x80xi32, #tpu.memory_space<vmem>>
      %dma_start3A_73 = tpu.memref_squeeze %dma_start3A_72 : memref<1x80xi32, #tpu.memory_space<vmem>> -> memref<80xi32, #tpu.memory_space<vmem>>
      %dma_start3A_74 = arith.constant 0 : i32
      %dma_start3A_75 = arith.constant 0 : i32
      %dma_start3A_76 = tpu.memref_slice %arg8[%dma_start3A_74, %dma_start3A_75] : memref<10240x128xf32, #tpu.memory_space<vmem_shared>> -> memref<10240x128xf32, #tpu.memory_space<vmem_shared>>
      tpu.enqueue_indirect_dma source(%arg7 : memref<80x128xf32, #tpu.memory_space<vmem>>) target(%dma_start3A_76 : memref<10240x128xf32, #tpu.memory_space<vmem_shared>>) offsets(%dma_start3A_73 : memref<80xi32, #tpu.memory_space<vmem>>) semaphore(%arg10 : memref<!tpu.dma_semaphore, #tpu.memory_space<semaphore_mem>>) {add = true}
      %mul3A_77 = arith.constant 5 : i32
      %mul3A_78 = arith.muli %add3A_50, %mul3A_77 : i32
      %add3A_79 = arith.constant 2 : i32
      %add3A_80 = arith.addi %mul3A_78, %add3A_79 : i32
      %ge3A_81 = arith.constant 5 : i32
      %ge3A_82 = arith.cmpi sge, %add3A_80, %ge3A_81 : i32
      %convert_element_type3A_83 = arith.extui %ge3A_82 : i1 to i32
      %cond3A_84 = arith.constant 0 : i32
      %cond3A_85 = arith.cmpi ne, %convert_element_type3A_83, %cond3A_84 : i32
      scf.if %cond3A_85 {
        %sub3A = arith.constant 5 : i32
        %sub3A_122 = arith.subi %add3A_80, %sub3A : i32
        %dma_wait3A_123 = arith.constant 0 : i32
        %dma_wait3A_124 = tpu.memref_slice %arg6[%sub3A_122, %dma_wait3A_123] : memref<125x80xi32, #tpu.memory_space<vmem>> -> memref<1x80xi32, #tpu.memory_space<vmem>>
        %dma_wait3A_125 = tpu.memref_squeeze %dma_wait3A_124 : memref<1x80xi32, #tpu.memory_space<vmem>> -> memref<80xi32, #tpu.memory_space<vmem>>
        %dma_wait3A_126 = arith.constant 0 : i32
        %dma_wait3A_127 = arith.constant 0 : i32
        %dma_wait3A_128 = tpu.memref_slice %arg8[%dma_wait3A_126, %dma_wait3A_127] : memref<10240x128xf32, #tpu.memory_space<vmem_shared>> -> memref<10240x128xf32, #tpu.memory_space<vmem_shared>>
        tpu.wait_indirect_dma semaphore(%arg11 : memref<!tpu.dma_semaphore, #tpu.memory_space<semaphore_mem>>) src(%arg7 : memref<80x128xf32, #tpu.memory_space<vmem>>) dst(%dma_wait3A_128 : memref<10240x128xf32, #tpu.memory_space<vmem_shared>>)
      } else {
      }
      %dma_start3A_86 = arith.constant 0 : i32
      %dma_start3A_87 = tpu.memref_slice %arg6[%add3A_80, %dma_start3A_86] : memref<125x80xi32, #tpu.memory_space<vmem>> -> memref<1x80xi32, #tpu.memory_space<vmem>>
      %dma_start3A_88 = tpu.memref_squeeze %dma_start3A_87 : memref<1x80xi32, #tpu.memory_space<vmem>> -> memref<80xi32, #tpu.memory_space<vmem>>
      %dma_start3A_89 = arith.constant 0 : i32
      %dma_start3A_90 = arith.constant 0 : i32
      %dma_start3A_91 = tpu.memref_slice %arg8[%dma_start3A_89, %dma_start3A_90] : memref<10240x128xf32, #tpu.memory_space<vmem_shared>> -> memref<10240x128xf32, #tpu.memory_space<vmem_shared>>
      tpu.enqueue_indirect_dma source(%arg7 : memref<80x128xf32, #tpu.memory_space<vmem>>) target(%dma_start3A_91 : memref<10240x128xf32, #tpu.memory_space<vmem_shared>>) offsets(%dma_start3A_88 : memref<80xi32, #tpu.memory_space<vmem>>) semaphore(%arg11 : memref<!tpu.dma_semaphore, #tpu.memory_space<semaphore_mem>>) {add = true}
      %mul3A_92 = arith.constant 5 : i32
      %mul3A_93 = arith.muli %add3A_50, %mul3A_92 : i32
      %add3A_94 = arith.constant 3 : i32
      %add3A_95 = arith.addi %mul3A_93, %add3A_94 : i32
      %ge3A_96 = arith.constant 5 : i32
      %ge3A_97 = arith.cmpi sge, %add3A_95, %ge3A_96 : i32
      %convert_element_type3A_98 = arith.extui %ge3A_97 : i1 to i32
      %cond3A_99 = arith.constant 0 : i32
      %cond3A_100 = arith.cmpi ne, %convert_element_type3A_98, %cond3A_99 : i32
      scf.if %cond3A_100 {
        %sub3A = arith.constant 5 : i32
        %sub3A_122 = arith.subi %add3A_95, %sub3A : i32
        %dma_wait3A_123 = arith.constant 0 : i32
        %dma_wait3A_124 = tpu.memref_slice %arg6[%sub3A_122, %dma_wait3A_123] : memref<125x80xi32, #tpu.memory_space<vmem>> -> memref<1x80xi32, #tpu.memory_space<vmem>>
        %dma_wait3A_125 = tpu.memref_squeeze %dma_wait3A_124 : memref<1x80xi32, #tpu.memory_space<vmem>> -> memref<80xi32, #tpu.memory_space<vmem>>
        %dma_wait3A_126 = arith.constant 0 : i32
        %dma_wait3A_127 = arith.constant 0 : i32
        %dma_wait3A_128 = tpu.memref_slice %arg8[%dma_wait3A_126, %dma_wait3A_127] : memref<10240x128xf32, #tpu.memory_space<vmem_shared>> -> memref<10240x128xf32, #tpu.memory_space<vmem_shared>>
        tpu.wait_indirect_dma semaphore(%arg12 : memref<!tpu.dma_semaphore, #tpu.memory_space<semaphore_mem>>) src(%arg7 : memref<80x128xf32, #tpu.memory_space<vmem>>) dst(%dma_wait3A_128 : memref<10240x128xf32, #tpu.memory_space<vmem_shared>>)
      } else {
      }
      %dma_start3A_101 = arith.constant 0 : i32
      %dma_start3A_102 = tpu.memref_slice %arg6[%add3A_95, %dma_start3A_101] : memref<125x80xi32, #tpu.memory_space<vmem>> -> memref<1x80xi32, #tpu.memory_space<vmem>>
      %dma_start3A_103 = tpu.memref_squeeze %dma_start3A_102 : memref<1x80xi32, #tpu.memory_space<vmem>> -> memref<80xi32, #tpu.memory_space<vmem>>
      %dma_start3A_104 = arith.constant 0 : i32
      %dma_start3A_105 = arith.constant 0 : i32
      %dma_start3A_106 = tpu.memref_slice %arg8[%dma_start3A_104, %dma_start3A_105] : memref<10240x128xf32, #tpu.memory_space<vmem_shared>> -> memref<10240x128xf32, #tpu.memory_space<vmem_shared>>
      tpu.enqueue_indirect_dma source(%arg7 : memref<80x128xf32, #tpu.memory_space<vmem>>) target(%dma_start3A_106 : memref<10240x128xf32, #tpu.memory_space<vmem_shared>>) offsets(%dma_start3A_103 : memref<80xi32, #tpu.memory_space<vmem>>) semaphore(%arg12 : memref<!tpu.dma_semaphore, #tpu.memory_space<semaphore_mem>>) {add = true}
      %mul3A_107 = arith.constant 5 : i32
      %mul3A_108 = arith.muli %add3A_50, %mul3A_107 : i32
      %add3A_109 = arith.constant 4 : i32
      %add3A_110 = arith.addi %mul3A_108, %add3A_109 : i32
      %ge3A_111 = arith.constant 5 : i32
      %ge3A_112 = arith.cmpi sge, %add3A_110, %ge3A_111 : i32
      %convert_element_type3A_113 = arith.extui %ge3A_112 : i1 to i32
      %cond3A_114 = arith.constant 0 : i32
      %cond3A_115 = arith.cmpi ne, %convert_element_type3A_113, %cond3A_114 : i32
      scf.if %cond3A_115 {
        %sub3A = arith.constant 5 : i32
        %sub3A_122 = arith.subi %add3A_110, %sub3A : i32
        %dma_wait3A_123 = arith.constant 0 : i32
        %dma_wait3A_124 = tpu.memref_slice %arg6[%sub3A_122, %dma_wait3A_123] : memref<125x80xi32, #tpu.memory_space<vmem>> -> memref<1x80xi32, #tpu.memory_space<vmem>>
        %dma_wait3A_125 = tpu.memref_squeeze %dma_wait3A_124 : memref<1x80xi32, #tpu.memory_space<vmem>> -> memref<80xi32, #tpu.memory_space<vmem>>
        %dma_wait3A_126 = arith.constant 0 : i32
        %dma_wait3A_127 = arith.constant 0 : i32
        %dma_wait3A_128 = tpu.memref_slice %arg8[%dma_wait3A_126, %dma_wait3A_127] : memref<10240x128xf32, #tpu.memory_space<vmem_shared>> -> memref<10240x128xf32, #tpu.memory_space<vmem_shared>>
        tpu.wait_indirect_dma semaphore(%arg13 : memref<!tpu.dma_semaphore, #tpu.memory_space<semaphore_mem>>) src(%arg7 : memref<80x128xf32, #tpu.memory_space<vmem>>) dst(%dma_wait3A_128 : memref<10240x128xf32, #tpu.memory_space<vmem_shared>>)
      } else {
      }
      %dma_start3A_116 = arith.constant 0 : i32
      %dma_start3A_117 = tpu.memref_slice %arg6[%add3A_110, %dma_start3A_116] : memref<125x80xi32, #tpu.memory_space<vmem>> -> memref<1x80xi32, #tpu.memory_space<vmem>>
      %dma_start3A_118 = tpu.memref_squeeze %dma_start3A_117 : memref<1x80xi32, #tpu.memory_space<vmem>> -> memref<80xi32, #tpu.memory_space<vmem>>
      %dma_start3A_119 = arith.constant 0 : i32
      %dma_start3A_120 = arith.constant 0 : i32
      %dma_start3A_121 = tpu.memref_slice %arg8[%dma_start3A_119, %dma_start3A_120] : memref<10240x128xf32, #tpu.memory_space<vmem_shared>> -> memref<10240x128xf32, #tpu.memory_space<vmem_shared>>
      tpu.enqueue_indirect_dma source(%arg7 : memref<80x128xf32, #tpu.memory_space<vmem>>) target(%dma_start3A_121 : memref<10240x128xf32, #tpu.memory_space<vmem_shared>>) offsets(%dma_start3A_118 : memref<80xi32, #tpu.memory_space<vmem>>) semaphore(%arg13 : memref<!tpu.dma_semaphore, #tpu.memory_space<semaphore_mem>>) {add = true}
    }
    %scan3A_6 = arith.constant 25 : i32
    %dma_wait3A = arith.constant 120 : i32
    %dma_wait3A_7 = arith.constant 0 : i32
    %dma_wait3A_8 = tpu.memref_slice %arg6[%dma_wait3A, %dma_wait3A_7] : memref<125x80xi32, #tpu.memory_space<vmem>> -> memref<1x80xi32, #tpu.memory_space<vmem>>
    %dma_wait3A_9 = tpu.memref_squeeze %dma_wait3A_8 : memref<1x80xi32, #tpu.memory_space<vmem>> -> memref<80xi32, #tpu.memory_space<vmem>>
    %dma_wait3A_10 = arith.constant 0 : i32
    %dma_wait3A_11 = arith.constant 0 : i32
    %dma_wait3A_12 = tpu.memref_slice %arg8[%dma_wait3A_10, %dma_wait3A_11] : memref<10240x128xf32, #tpu.memory_space<vmem_shared>> -> memref<10240x128xf32, #tpu.memory_space<vmem_shared>>
    tpu.wait_indirect_dma semaphore(%arg9 : memref<!tpu.dma_semaphore, #tpu.memory_space<semaphore_mem>>) src(%arg7 : memref<80x128xf32, #tpu.memory_space<vmem>>) dst(%dma_wait3A_12 : memref<10240x128xf32, #tpu.memory_space<vmem_shared>>)
    %dma_wait3A_13 = arith.constant 121 : i32
    %dma_wait3A_14 = arith.constant 0 : i32
    %dma_wait3A_15 = tpu.memref_slice %arg6[%dma_wait3A_13, %dma_wait3A_14] : memref<125x80xi32, #tpu.memory_space<vmem>> -> memref<1x80xi32, #tpu.memory_space<vmem>>
    %dma_wait3A_16 = tpu.memref_squeeze %dma_wait3A_15 : memref<1x80xi32, #tpu.memory_space<vmem>> -> memref<80xi32, #tpu.memory_space<vmem>>
    %dma_wait3A_17 = arith.constant 0 : i32
    %dma_wait3A_18 = arith.constant 0 : i32
    %dma_wait3A_19 = tpu.memref_slice %arg8[%dma_wait3A_17, %dma_wait3A_18] : memref<10240x128xf32, #tpu.memory_space<vmem_shared>> -> memref<10240x128xf32, #tpu.memory_space<vmem_shared>>
    tpu.wait_indirect_dma semaphore(%arg10 : memref<!tpu.dma_semaphore, #tpu.memory_space<semaphore_mem>>) src(%arg7 : memref<80x128xf32, #tpu.memory_space<vmem>>) dst(%dma_wait3A_19 : memref<10240x128xf32, #tpu.memory_space<vmem_shared>>)
    %dma_wait3A_20 = arith.constant 122 : i32
    %dma_wait3A_21 = arith.constant 0 : i32
    %dma_wait3A_22 = tpu.memref_slice %arg6[%dma_wait3A_20, %dma_wait3A_21] : memref<125x80xi32, #tpu.memory_space<vmem>> -> memref<1x80xi32, #tpu.memory_space<vmem>>
    %dma_wait3A_23 = tpu.memref_squeeze %dma_wait3A_22 : memref<1x80xi32, #tpu.memory_space<vmem>> -> memref<80xi32, #tpu.memory_space<vmem>>
    %dma_wait3A_24 = arith.constant 0 : i32
    %dma_wait3A_25 = arith.constant 0 : i32
    %dma_wait3A_26 = tpu.memref_slice %arg8[%dma_wait3A_24, %dma_wait3A_25] : memref<10240x128xf32, #tpu.memory_space<vmem_shared>> -> memref<10240x128xf32, #tpu.memory_space<vmem_shared>>
    tpu.wait_indirect_dma semaphore(%arg11 : memref<!tpu.dma_semaphore, #tpu.memory_space<semaphore_mem>>) src(%arg7 : memref<80x128xf32, #tpu.memory_space<vmem>>) dst(%dma_wait3A_26 : memref<10240x128xf32, #tpu.memory_space<vmem_shared>>)
    %dma_wait3A_27 = arith.constant 123 : i32
    %dma_wait3A_28 = arith.constant 0 : i32
    %dma_wait3A_29 = tpu.memref_slice %arg6[%dma_wait3A_27, %dma_wait3A_28] : memref<125x80xi32, #tpu.memory_space<vmem>> -> memref<1x80xi32, #tpu.memory_space<vmem>>
    %dma_wait3A_30 = tpu.memref_squeeze %dma_wait3A_29 : memref<1x80xi32, #tpu.memory_space<vmem>> -> memref<80xi32, #tpu.memory_space<vmem>>
    %dma_wait3A_31 = arith.constant 0 : i32
    %dma_wait3A_32 = arith.constant 0 : i32
    %dma_wait3A_33 = tpu.memref_slice %arg8[%dma_wait3A_31, %dma_wait3A_32] : memref<10240x128xf32, #tpu.memory_space<vmem_shared>> -> memref<10240x128xf32, #tpu.memory_space<vmem_shared>>
    tpu.wait_indirect_dma semaphore(%arg12 : memref<!tpu.dma_semaphore, #tpu.memory_space<semaphore_mem>>) src(%arg7 : memref<80x128xf32, #tpu.memory_space<vmem>>) dst(%dma_wait3A_33 : memref<10240x128xf32, #tpu.memory_space<vmem_shared>>)
    %dma_wait3A_34 = arith.constant 124 : i32
    %dma_wait3A_35 = arith.constant 0 : i32
    %dma_wait3A_36 = tpu.memref_slice %arg6[%dma_wait3A_34, %dma_wait3A_35] : memref<125x80xi32, #tpu.memory_space<vmem>> -> memref<1x80xi32, #tpu.memory_space<vmem>>
    %dma_wait3A_37 = tpu.memref_squeeze %dma_wait3A_36 : memref<1x80xi32, #tpu.memory_space<vmem>> -> memref<80xi32, #tpu.memory_space<vmem>>
    %dma_wait3A_38 = arith.constant 0 : i32
    %dma_wait3A_39 = arith.constant 0 : i32
    %dma_wait3A_40 = tpu.memref_slice %arg8[%dma_wait3A_38, %dma_wait3A_39] : memref<10240x128xf32, #tpu.memory_space<vmem_shared>> -> memref<10240x128xf32, #tpu.memory_space<vmem_shared>>
    tpu.wait_indirect_dma semaphore(%arg13 : memref<!tpu.dma_semaphore, #tpu.memory_space<semaphore_mem>>) src(%arg7 : memref<80x128xf32, #tpu.memory_space<vmem>>) dst(%dma_wait3A_40 : memref<10240x128xf32, #tpu.memory_space<vmem_shared>>)
    %barrier3A_41 = arith.constant 0 : index
    tpu.barrier barrier_id(%barrier3A_41)
    %mul3A_42 = arith.constant 640 : i32
    %mul3A_43 = arith.muli %arg1, %mul3A_42 : i32
    %mul3A_44 = arith.constant 640 : i32
    %mul3A_45 = arith.muli %arg1, %mul3A_44 : i32
    "tpu.region"() ({
      %run_scoped3A = tpu.sem_alloc : memref<!tpu.dma_semaphore, #tpu.memory_space<semaphore_mem>>
      %dma_start3A = arith.constant 0 : i32
      %dma_start3A_46 = tpu.memref_slice %arg5[%arg0, %mul3A_45, %dma_start3A] : memref<2x10240x128xf32, #tpu.memory_space<hbm>> -> memref<1x640x128xf32, #tpu.memory_space<hbm>>
      %dma_start3A_47 = tpu.memref_squeeze %dma_start3A_46 : memref<1x640x128xf32, #tpu.memory_space<hbm>> -> memref<640x128xf32, #tpu.memory_space<hbm>>
      %dma_start3A_48 = arith.constant 0 : i32
      %dma_start3A_49 = tpu.memref_slice %arg8[%mul3A_43, %dma_start3A_48] : memref<10240x128xf32, #tpu.memory_space<vmem_shared>> -> memref<640x128xf32, #tpu.memory_space<vmem_shared>>
      tpu.enqueue_dma source(%dma_start3A_49 : memref<640x128xf32, #tpu.memory_space<vmem_shared>>) target(%dma_start3A_47 : memref<640x128xf32, #tpu.memory_space<hbm>>) target_semaphore(%run_scoped3A : memref<!tpu.dma_semaphore, #tpu.memory_space<semaphore_mem>>)
      %dma_wait3A_50 = arith.constant 0 : i32
      %dma_wait3A_51 = tpu.memref_slice %arg5[%arg0, %mul3A_45, %dma_wait3A_50] : memref<2x10240x128xf32, #tpu.memory_space<hbm>> -> memref<1x640x128xf32, #tpu.memory_space<hbm>>
      %dma_wait3A_52 = tpu.memref_squeeze %dma_wait3A_51 : memref<1x640x128xf32, #tpu.memory_space<hbm>> -> memref<640x128xf32, #tpu.memory_space<hbm>>
      %dma_wait3A_53 = arith.constant 0 : i32
      %dma_wait3A_54 = tpu.memref_slice %arg8[%mul3A_43, %dma_wait3A_53] : memref<10240x128xf32, #tpu.memory_space<vmem_shared>> -> memref<640x128xf32, #tpu.memory_space<vmem_shared>>
      tpu.wait_dma2 semaphore(%run_scoped3A : memref<!tpu.dma_semaphore, #tpu.memory_space<semaphore_mem>>) src(%dma_wait3A_54 : memref<640x128xf32, #tpu.memory_space<vmem_shared>>) dst(%dma_wait3A_52 : memref<640x128xf32, #tpu.memory_space<hbm>>)
      tpu.yield
    }) : () -> ()
    return
  }
}

#map = affine_map<(d0, d1) -> (0, 0)>
#map1 = affine_map<(d0, d1) -> (0)>
#map2 = affine_map<(d0, d1) -> (0, 0, 0)>
module attributes {stable_mosaic.version = 14 : i64} {
  func.func @k(%arg0: i32, %arg1: i32, %arg2: memref<10000x128xf32, #tpu.memory_space<hbm>>, %arg3: memref<320000xi32, #tpu.memory_space<hbm>>, %arg4: memref<32x125x80xi32, #tpu.memory_space<hbm>>, %arg5: memref<640x128xf32, #tpu.memory_space<hbm>>, %arg6: memref<2x10240x128xf32, #tpu.memory_space<hbm>>, %arg7: memref<125x80xi32, #tpu.memory_space<vmem>>, %arg8: memref<80xi32, #tpu.memory_space<vmem>>, %arg9: memref<80xi32, #tpu.memory_space<vmem>>, %arg10: memref<80xi32, #tpu.memory_space<vmem>>, %arg11: memref<80x128xf32, #tpu.memory_space<vmem>>, %arg12: memref<80x128xf32, #tpu.memory_space<vmem>>, %arg13: memref<80x128xf32, #tpu.memory_space<vmem>>, %arg14: memref<10240x128xf32, #tpu.memory_space<vmem_shared>>, %arg15: memref<!tpu.dma_semaphore, #tpu.memory_space<semaphore_mem>>, %arg16: memref<!tpu.dma_semaphore, #tpu.memory_space<semaphore_mem>>, %arg17: memref<!tpu.dma_semaphore, #tpu.memory_space<semaphore_mem>>, %arg18: memref<!tpu.dma_semaphore, #tpu.memory_space<semaphore_mem>>, %arg19: memref<!tpu.dma_semaphore, #tpu.memory_space<semaphore_mem>>, %arg20: memref<!tpu.dma_semaphore, #tpu.memory_space<semaphore_mem>>, %arg21: memref<!tpu.dma_semaphore, #tpu.memory_space<semaphore_mem>>, %arg22: memref<!tpu.dma_semaphore, #tpu.memory_space<semaphore_mem>>, %arg23: memref<!tpu.dma_semaphore, #tpu.memory_space<semaphore_mem>>) attributes {dimension_semantics = [#tpu.dimension_semantics<core_parallel>, #tpu.dimension_semantics<subcore_parallel>], iteration_bounds = array<i64: 2, 16>, scalar_prefetch = 0 : i64, scratch_operands = 17 : i64, tpu.core_type = #tpu.core_type<sc_vector_subcore>, window_params = [{transform_indices = #map}, {transform_indices = #map1}, {transform_indices = #map2}, {transform_indices = #map}, {transform_indices = #map2}]} {
    %mul3A = arith.constant 16 : i32
    %mul3A_0 = arith.muli %arg0, %mul3A : i32
    %add3A = arith.addi %mul3A_0, %arg1 : i32
    %mul3A_1 = arith.constant 10000 : i32
    %mul3A_2 = arith.muli %add3A, %mul3A_1 : i32
    "tpu.region"() ({
      %run_scoped3A = tpu.sem_alloc : memref<!tpu.dma_semaphore, #tpu.memory_space<semaphore_mem>>
      %dma_start3A_82 = arith.constant 0 : i32
      %dma_start3A_83 = arith.constant 0 : i32
      %dma_start3A_84 = tpu.memref_slice %arg4[%add3A, %dma_start3A_82, %dma_start3A_83] : memref<32x125x80xi32, #tpu.memory_space<hbm>> -> memref<1x125x80xi32, #tpu.memory_space<hbm>>
      %dma_start3A_85 = tpu.memref_squeeze %dma_start3A_84 : memref<1x125x80xi32, #tpu.memory_space<hbm>> -> memref<125x80xi32, #tpu.memory_space<hbm>>
      %dma_start3A_86 = arith.constant 0 : i32
      %dma_start3A_87 = arith.constant 0 : i32
      %dma_start3A_88 = tpu.memref_slice %arg4[%add3A, %dma_start3A_86, %dma_start3A_87] : memref<32x125x80xi32, #tpu.memory_space<hbm>> -> memref<1x125x80xi32, #tpu.memory_space<hbm>>
      %dma_start3A_89 = tpu.memref_squeeze %dma_start3A_88 : memref<1x125x80xi32, #tpu.memory_space<hbm>> -> memref<125x80xi32, #tpu.memory_space<hbm>>
      tpu.enqueue_dma source(%dma_start3A_89 : memref<125x80xi32, #tpu.memory_space<hbm>>) target(%arg7 : memref<125x80xi32, #tpu.memory_space<vmem>>) target_semaphore(%run_scoped3A : memref<!tpu.dma_semaphore, #tpu.memory_space<semaphore_mem>>)
      %dma_wait3A_90 = arith.constant 0 : i32
      %dma_wait3A_91 = arith.constant 0 : i32
      %dma_wait3A_92 = tpu.memref_slice %arg4[%add3A, %dma_wait3A_90, %dma_wait3A_91] : memref<32x125x80xi32, #tpu.memory_space<hbm>> -> memref<1x125x80xi32, #tpu.memory_space<hbm>>
      %dma_wait3A_93 = tpu.memref_squeeze %dma_wait3A_92 : memref<1x125x80xi32, #tpu.memory_space<hbm>> -> memref<125x80xi32, #tpu.memory_space<hbm>>
      %dma_wait3A_94 = arith.constant 0 : i32
      %dma_wait3A_95 = arith.constant 0 : i32
      %dma_wait3A_96 = tpu.memref_slice %arg4[%add3A, %dma_wait3A_94, %dma_wait3A_95] : memref<32x125x80xi32, #tpu.memory_space<hbm>> -> memref<1x125x80xi32, #tpu.memory_space<hbm>>
      %dma_wait3A_97 = tpu.memref_squeeze %dma_wait3A_96 : memref<1x125x80xi32, #tpu.memory_space<hbm>> -> memref<125x80xi32, #tpu.memory_space<hbm>>
      tpu.wait_dma2 semaphore(%run_scoped3A : memref<!tpu.dma_semaphore, #tpu.memory_space<semaphore_mem>>) src(%dma_wait3A_97 : memref<125x80xi32, #tpu.memory_space<hbm>>) dst(%arg7 : memref<125x80xi32, #tpu.memory_space<vmem>>)
      tpu.yield
    }) : () -> ()
    %add3A_3 = arith.constant 0 : i32
    %add3A_4 = arith.addi %mul3A_2, %add3A_3 : i32
    %dma_start3A = tpu.memref_slice %arg3[%add3A_4] : memref<320000xi32, #tpu.memory_space<hbm>> -> memref<80xi32, #tpu.memory_space<hbm>>
    %dma_start3A_5 = tpu.memref_slice %arg3[%add3A_4] : memref<320000xi32, #tpu.memory_space<hbm>> -> memref<80xi32, #tpu.memory_space<hbm>>
    tpu.enqueue_dma source(%dma_start3A_5 : memref<80xi32, #tpu.memory_space<hbm>>) target(%arg8 : memref<80xi32, #tpu.memory_space<vmem>>) target_semaphore(%arg15 : memref<!tpu.dma_semaphore, #tpu.memory_space<semaphore_mem>>)
    %add3A_6 = arith.constant 80 : i32
    %add3A_7 = arith.addi %mul3A_2, %add3A_6 : i32
    %dma_start3A_8 = tpu.memref_slice %arg3[%add3A_7] : memref<320000xi32, #tpu.memory_space<hbm>> -> memref<80xi32, #tpu.memory_space<hbm>>
    %dma_start3A_9 = tpu.memref_slice %arg3[%add3A_7] : memref<320000xi32, #tpu.memory_space<hbm>> -> memref<80xi32, #tpu.memory_space<hbm>>
    tpu.enqueue_dma source(%dma_start3A_9 : memref<80xi32, #tpu.memory_space<hbm>>) target(%arg9 : memref<80xi32, #tpu.memory_space<vmem>>) target_semaphore(%arg16 : memref<!tpu.dma_semaphore, #tpu.memory_space<semaphore_mem>>)
    %add3A_10 = arith.constant 0 : i32
    %add3A_11 = arith.addi %mul3A_2, %add3A_10 : i32
    %dma_wait3A = tpu.memref_slice %arg3[%add3A_11] : memref<320000xi32, #tpu.memory_space<hbm>> -> memref<80xi32, #tpu.memory_space<hbm>>
    %dma_wait3A_12 = tpu.memref_slice %arg3[%add3A_11] : memref<320000xi32, #tpu.memory_space<hbm>> -> memref<80xi32, #tpu.memory_space<hbm>>
    tpu.wait_dma2 semaphore(%arg15 : memref<!tpu.dma_semaphore, #tpu.memory_space<semaphore_mem>>) src(%dma_wait3A_12 : memref<80xi32, #tpu.memory_space<hbm>>) dst(%arg8 : memref<80xi32, #tpu.memory_space<vmem>>)
    %dma_start3A_13 = arith.constant 0 : i32
    %dma_start3A_14 = arith.constant 0 : i32
    %dma_start3A_15 = tpu.memref_slice %arg2[%dma_start3A_13, %dma_start3A_14] : memref<10000x128xf32, #tpu.memory_space<hbm>> -> memref<10000x128xf32, #tpu.memory_space<hbm>>
    tpu.enqueue_indirect_dma source(%dma_start3A_15 : memref<10000x128xf32, #tpu.memory_space<hbm>>) target(%arg11 : memref<80x128xf32, #tpu.memory_space<vmem>>) offsets(%arg8 : memref<80xi32, #tpu.memory_space<vmem>>) semaphore(%arg18 : memref<!tpu.dma_semaphore, #tpu.memory_space<semaphore_mem>>)
    %mul3A_16 = arith.constant 640 : i32
    %mul3A_17 = arith.muli %arg1, %mul3A_16 : i32
    "tpu.region"() ({
      %run_scoped3A = tpu.sem_alloc : memref<!tpu.dma_semaphore, #tpu.memory_space<semaphore_mem>>
      %dma_start3A_82 = arith.constant 0 : i32
      %dma_start3A_83 = tpu.memref_slice %arg14[%mul3A_17, %dma_start3A_82] : memref<10240x128xf32, #tpu.memory_space<vmem_shared>> -> memref<640x128xf32, #tpu.memory_space<vmem_shared>>
      tpu.enqueue_dma source(%arg5 : memref<640x128xf32, #tpu.memory_space<hbm>>) target(%dma_start3A_83 : memref<640x128xf32, #tpu.memory_space<vmem_shared>>) target_semaphore(%run_scoped3A : memref<!tpu.dma_semaphore, #tpu.memory_space<semaphore_mem>>)
      %dma_wait3A_84 = arith.constant 0 : i32
      %dma_wait3A_85 = tpu.memref_slice %arg14[%mul3A_17, %dma_wait3A_84] : memref<10240x128xf32, #tpu.memory_space<vmem_shared>> -> memref<640x128xf32, #tpu.memory_space<vmem_shared>>
      tpu.wait_dma2 semaphore(%run_scoped3A : memref<!tpu.dma_semaphore, #tpu.memory_space<semaphore_mem>>) src(%arg5 : memref<640x128xf32, #tpu.memory_space<hbm>>) dst(%dma_wait3A_85 : memref<640x128xf32, #tpu.memory_space<vmem_shared>>)
      tpu.yield
    }) : () -> ()
    %barrier3A = arith.constant 0 : index
    tpu.barrier barrier_id(%barrier3A)
    %scan3A = arith.constant 0 : i32
    %scan3A_18 = arith.constant 41 : i32
    %scan3A_19 = arith.addi %scan3A, %scan3A_18 : i32
    %scan3A_20 = arith.constant 1 : i32
    scf.for %scan3A_82 = %scan3A to %scan3A_19 step %scan3A_20  : i32 {
      %mul3A_83 = arith.constant 1 : i32
      %mul3A_84 = arith.muli %scan3A_82, %mul3A_83 : i32
      %add3A_85 = arith.constant 0 : i32
      %add3A_86 = arith.addi %add3A_85, %mul3A_84 : i32
      %mul3A_87 = arith.constant 3 : i32
      %mul3A_88 = arith.muli %add3A_86, %mul3A_87 : i32
      %add3A_89 = arith.constant 0 : i32
      %add3A_90 = arith.addi %mul3A_88, %add3A_89 : i32
      %add3A_91 = arith.constant 2 : i32
      %add3A_92 = arith.addi %add3A_90, %add3A_91 : i32
      %le3A = arith.constant 124 : i32
      %le3A_93 = arith.cmpi sle, %add3A_92, %le3A : i32
      %convert_element_type3A = arith.extui %le3A_93 : i1 to i32
      %cond3A = arith.constant 0 : i32
      %cond3A_94 = arith.cmpi ne, %convert_element_type3A, %cond3A : i32
      scf.if %cond3A_94 {
        %add3A_179 = arith.constant 2 : i32
        %add3A_180 = arith.addi %add3A_90, %add3A_179 : i32
        %mul3A_181 = arith.constant 80 : i32
        %mul3A_182 = arith.muli %add3A_180, %mul3A_181 : i32
        %add3A_183 = arith.addi %mul3A_2, %mul3A_182 : i32
        %dma_start3A_184 = tpu.memref_slice %arg3[%add3A_183] : memref<320000xi32, #tpu.memory_space<hbm>> -> memref<80xi32, #tpu.memory_space<hbm>>
        %dma_start3A_185 = tpu.memref_slice %arg3[%add3A_183] : memref<320000xi32, #tpu.memory_space<hbm>> -> memref<80xi32, #tpu.memory_space<hbm>>
        tpu.enqueue_dma source(%dma_start3A_185 : memref<80xi32, #tpu.memory_space<hbm>>) target(%arg10 : memref<80xi32, #tpu.memory_space<vmem>>) target_semaphore(%arg17 : memref<!tpu.dma_semaphore, #tpu.memory_space<semaphore_mem>>)
      } else {
      }
      %ge3A = arith.constant 2 : i32
      %ge3A_95 = arith.cmpi sge, %add3A_90, %ge3A : i32
      %convert_element_type3A_96 = arith.extui %ge3A_95 : i1 to i32
      %cond3A_97 = arith.constant 0 : i32
      %cond3A_98 = arith.cmpi ne, %convert_element_type3A_96, %cond3A_97 : i32
      scf.if %cond3A_98 {
        %sub3A = arith.constant 2 : i32
        %sub3A_179 = arith.subi %add3A_90, %sub3A : i32
        %dma_wait3A_180 = arith.constant 0 : i32
        %dma_wait3A_181 = tpu.memref_slice %arg7[%sub3A_179, %dma_wait3A_180] : memref<125x80xi32, #tpu.memory_space<vmem>> -> memref<1x80xi32, #tpu.memory_space<vmem>>
        %dma_wait3A_182 = tpu.memref_squeeze %dma_wait3A_181 : memref<1x80xi32, #tpu.memory_space<vmem>> -> memref<80xi32, #tpu.memory_space<vmem>>
        %dma_wait3A_183 = arith.constant 0 : i32
        %dma_wait3A_184 = arith.constant 0 : i32
        %dma_wait3A_185 = tpu.memref_slice %arg14[%dma_wait3A_183, %dma_wait3A_184] : memref<10240x128xf32, #tpu.memory_space<vmem_shared>> -> memref<10240x128xf32, #tpu.memory_space<vmem_shared>>
        tpu.wait_indirect_dma semaphore(%arg22 : memref<!tpu.dma_semaphore, #tpu.memory_space<semaphore_mem>>) src(%arg12 : memref<80x128xf32, #tpu.memory_space<vmem>>) dst(%dma_wait3A_185 : memref<10240x128xf32, #tpu.memory_space<vmem_shared>>)
      } else {
      }
      %add3A_99 = arith.constant 1 : i32
      %add3A_100 = arith.addi %add3A_90, %add3A_99 : i32
      %le3A_101 = arith.constant 124 : i32
      %le3A_102 = arith.cmpi sle, %add3A_100, %le3A_101 : i32
      %convert_element_type3A_103 = arith.extui %le3A_102 : i1 to i32
      %cond3A_104 = arith.constant 0 : i32
      %cond3A_105 = arith.cmpi ne, %convert_element_type3A_103, %cond3A_104 : i32
      scf.if %cond3A_105 {
        %add3A_179 = arith.constant 1 : i32
        %add3A_180 = arith.addi %add3A_90, %add3A_179 : i32
        %mul3A_181 = arith.constant 80 : i32
        %mul3A_182 = arith.muli %add3A_180, %mul3A_181 : i32
        %add3A_183 = arith.addi %mul3A_2, %mul3A_182 : i32
        %dma_wait3A_184 = tpu.memref_slice %arg3[%add3A_183] : memref<320000xi32, #tpu.memory_space<hbm>> -> memref<80xi32, #tpu.memory_space<hbm>>
        %dma_wait3A_185 = tpu.memref_slice %arg3[%add3A_183] : memref<320000xi32, #tpu.memory_space<hbm>> -> memref<80xi32, #tpu.memory_space<hbm>>
        tpu.wait_dma2 semaphore(%arg16 : memref<!tpu.dma_semaphore, #tpu.memory_space<semaphore_mem>>) src(%dma_wait3A_185 : memref<80xi32, #tpu.memory_space<hbm>>) dst(%arg9 : memref<80xi32, #tpu.memory_space<vmem>>)
        %dma_start3A_186 = arith.constant 0 : i32
        %dma_start3A_187 = arith.constant 0 : i32
        %dma_start3A_188 = tpu.memref_slice %arg2[%dma_start3A_186, %dma_start3A_187] : memref<10000x128xf32, #tpu.memory_space<hbm>> -> memref<10000x128xf32, #tpu.memory_space<hbm>>
        tpu.enqueue_indirect_dma source(%dma_start3A_188 : memref<10000x128xf32, #tpu.memory_space<hbm>>) target(%arg12 : memref<80x128xf32, #tpu.memory_space<vmem>>) offsets(%arg9 : memref<80xi32, #tpu.memory_space<vmem>>) semaphore(%arg19 : memref<!tpu.dma_semaphore, #tpu.memory_space<semaphore_mem>>)
      } else {
      }
      %dma_wait3A_106 = arith.constant 0 : i32
      %dma_wait3A_107 = arith.constant 0 : i32
      %dma_wait3A_108 = tpu.memref_slice %arg2[%dma_wait3A_106, %dma_wait3A_107] : memref<10000x128xf32, #tpu.memory_space<hbm>> -> memref<10000x128xf32, #tpu.memory_space<hbm>>
      tpu.wait_indirect_dma semaphore(%arg18 : memref<!tpu.dma_semaphore, #tpu.memory_space<semaphore_mem>>) src(%dma_wait3A_108 : memref<10000x128xf32, #tpu.memory_space<hbm>>) dst(%arg11 : memref<80x128xf32, #tpu.memory_space<vmem>>)
      %dma_start3A_109 = arith.constant 0 : i32
      %dma_start3A_110 = tpu.memref_slice %arg7[%add3A_90, %dma_start3A_109] : memref<125x80xi32, #tpu.memory_space<vmem>> -> memref<1x80xi32, #tpu.memory_space<vmem>>
      %dma_start3A_111 = tpu.memref_squeeze %dma_start3A_110 : memref<1x80xi32, #tpu.memory_space<vmem>> -> memref<80xi32, #tpu.memory_space<vmem>>
      %dma_start3A_112 = arith.constant 0 : i32
      %dma_start3A_113 = arith.constant 0 : i32
      %dma_start3A_114 = tpu.memref_slice %arg14[%dma_start3A_112, %dma_start3A_113] : memref<10240x128xf32, #tpu.memory_space<vmem_shared>> -> memref<10240x128xf32, #tpu.memory_space<vmem_shared>>
      tpu.enqueue_indirect_dma source(%arg11 : memref<80x128xf32, #tpu.memory_space<vmem>>) target(%dma_start3A_114 : memref<10240x128xf32, #tpu.memory_space<vmem_shared>>) offsets(%dma_start3A_111 : memref<80xi32, #tpu.memory_space<vmem>>) semaphore(%arg21 : memref<!tpu.dma_semaphore, #tpu.memory_space<semaphore_mem>>) {add = true}
      %mul3A_115 = arith.constant 3 : i32
      %mul3A_116 = arith.muli %add3A_86, %mul3A_115 : i32
      %add3A_117 = arith.constant 1 : i32
      %add3A_118 = arith.addi %mul3A_116, %add3A_117 : i32
      %add3A_119 = arith.constant 2 : i32
      %add3A_120 = arith.addi %add3A_118, %add3A_119 : i32
      %le3A_121 = arith.constant 124 : i32
      %le3A_122 = arith.cmpi sle, %add3A_120, %le3A_121 : i32
      %convert_element_type3A_123 = arith.extui %le3A_122 : i1 to i32
      %cond3A_124 = arith.constant 0 : i32
      %cond3A_125 = arith.cmpi ne, %convert_element_type3A_123, %cond3A_124 : i32
      scf.if %cond3A_125 {
        %add3A_179 = arith.constant 2 : i32
        %add3A_180 = arith.addi %add3A_118, %add3A_179 : i32
        %mul3A_181 = arith.constant 80 : i32
        %mul3A_182 = arith.muli %add3A_180, %mul3A_181 : i32
        %add3A_183 = arith.addi %mul3A_2, %mul3A_182 : i32
        %dma_start3A_184 = tpu.memref_slice %arg3[%add3A_183] : memref<320000xi32, #tpu.memory_space<hbm>> -> memref<80xi32, #tpu.memory_space<hbm>>
        %dma_start3A_185 = tpu.memref_slice %arg3[%add3A_183] : memref<320000xi32, #tpu.memory_space<hbm>> -> memref<80xi32, #tpu.memory_space<hbm>>
        tpu.enqueue_dma source(%dma_start3A_185 : memref<80xi32, #tpu.memory_space<hbm>>) target(%arg8 : memref<80xi32, #tpu.memory_space<vmem>>) target_semaphore(%arg15 : memref<!tpu.dma_semaphore, #tpu.memory_space<semaphore_mem>>)
      } else {
      }
      %ge3A_126 = arith.constant 2 : i32
      %ge3A_127 = arith.cmpi sge, %add3A_118, %ge3A_126 : i32
      %convert_element_type3A_128 = arith.extui %ge3A_127 : i1 to i32
      %cond3A_129 = arith.constant 0 : i32
      %cond3A_130 = arith.cmpi ne, %convert_element_type3A_128, %cond3A_129 : i32
      scf.if %cond3A_130 {
        %sub3A = arith.constant 2 : i32
        %sub3A_179 = arith.subi %add3A_118, %sub3A : i32
        %dma_wait3A_180 = arith.constant 0 : i32
        %dma_wait3A_181 = tpu.memref_slice %arg7[%sub3A_179, %dma_wait3A_180] : memref<125x80xi32, #tpu.memory_space<vmem>> -> memref<1x80xi32, #tpu.memory_space<vmem>>
        %dma_wait3A_182 = tpu.memref_squeeze %dma_wait3A_181 : memref<1x80xi32, #tpu.memory_space<vmem>> -> memref<80xi32, #tpu.memory_space<vmem>>
        %dma_wait3A_183 = arith.constant 0 : i32
        %dma_wait3A_184 = arith.constant 0 : i32
        %dma_wait3A_185 = tpu.memref_slice %arg14[%dma_wait3A_183, %dma_wait3A_184] : memref<10240x128xf32, #tpu.memory_space<vmem_shared>> -> memref<10240x128xf32, #tpu.memory_space<vmem_shared>>
        tpu.wait_indirect_dma semaphore(%arg23 : memref<!tpu.dma_semaphore, #tpu.memory_space<semaphore_mem>>) src(%arg13 : memref<80x128xf32, #tpu.memory_space<vmem>>) dst(%dma_wait3A_185 : memref<10240x128xf32, #tpu.memory_space<vmem_shared>>)
      } else {
      }
      %add3A_131 = arith.constant 1 : i32
      %add3A_132 = arith.addi %add3A_118, %add3A_131 : i32
      %le3A_133 = arith.constant 124 : i32
      %le3A_134 = arith.cmpi sle, %add3A_132, %le3A_133 : i32
      %convert_element_type3A_135 = arith.extui %le3A_134 : i1 to i32
      %cond3A_136 = arith.constant 0 : i32
      %cond3A_137 = arith.cmpi ne, %convert_element_type3A_135, %cond3A_136 : i32
      scf.if %cond3A_137 {
        %add3A_179 = arith.constant 1 : i32
        %add3A_180 = arith.addi %add3A_118, %add3A_179 : i32
        %mul3A_181 = arith.constant 80 : i32
        %mul3A_182 = arith.muli %add3A_180, %mul3A_181 : i32
        %add3A_183 = arith.addi %mul3A_2, %mul3A_182 : i32
        %dma_wait3A_184 = tpu.memref_slice %arg3[%add3A_183] : memref<320000xi32, #tpu.memory_space<hbm>> -> memref<80xi32, #tpu.memory_space<hbm>>
        %dma_wait3A_185 = tpu.memref_slice %arg3[%add3A_183] : memref<320000xi32, #tpu.memory_space<hbm>> -> memref<80xi32, #tpu.memory_space<hbm>>
        tpu.wait_dma2 semaphore(%arg17 : memref<!tpu.dma_semaphore, #tpu.memory_space<semaphore_mem>>) src(%dma_wait3A_185 : memref<80xi32, #tpu.memory_space<hbm>>) dst(%arg10 : memref<80xi32, #tpu.memory_space<vmem>>)
        %dma_start3A_186 = arith.constant 0 : i32
        %dma_start3A_187 = arith.constant 0 : i32
        %dma_start3A_188 = tpu.memref_slice %arg2[%dma_start3A_186, %dma_start3A_187] : memref<10000x128xf32, #tpu.memory_space<hbm>> -> memref<10000x128xf32, #tpu.memory_space<hbm>>
        tpu.enqueue_indirect_dma source(%dma_start3A_188 : memref<10000x128xf32, #tpu.memory_space<hbm>>) target(%arg13 : memref<80x128xf32, #tpu.memory_space<vmem>>) offsets(%arg10 : memref<80xi32, #tpu.memory_space<vmem>>) semaphore(%arg20 : memref<!tpu.dma_semaphore, #tpu.memory_space<semaphore_mem>>)
      } else {
      }
      %dma_wait3A_138 = arith.constant 0 : i32
      %dma_wait3A_139 = arith.constant 0 : i32
      %dma_wait3A_140 = tpu.memref_slice %arg2[%dma_wait3A_138, %dma_wait3A_139] : memref<10000x128xf32, #tpu.memory_space<hbm>> -> memref<10000x128xf32, #tpu.memory_space<hbm>>
      tpu.wait_indirect_dma semaphore(%arg19 : memref<!tpu.dma_semaphore, #tpu.memory_space<semaphore_mem>>) src(%dma_wait3A_140 : memref<10000x128xf32, #tpu.memory_space<hbm>>) dst(%arg12 : memref<80x128xf32, #tpu.memory_space<vmem>>)
      %dma_start3A_141 = arith.constant 0 : i32
      %dma_start3A_142 = tpu.memref_slice %arg7[%add3A_118, %dma_start3A_141] : memref<125x80xi32, #tpu.memory_space<vmem>> -> memref<1x80xi32, #tpu.memory_space<vmem>>
      %dma_start3A_143 = tpu.memref_squeeze %dma_start3A_142 : memref<1x80xi32, #tpu.memory_space<vmem>> -> memref<80xi32, #tpu.memory_space<vmem>>
      %dma_start3A_144 = arith.constant 0 : i32
      %dma_start3A_145 = arith.constant 0 : i32
      %dma_start3A_146 = tpu.memref_slice %arg14[%dma_start3A_144, %dma_start3A_145] : memref<10240x128xf32, #tpu.memory_space<vmem_shared>> -> memref<10240x128xf32, #tpu.memory_space<vmem_shared>>
      tpu.enqueue_indirect_dma source(%arg12 : memref<80x128xf32, #tpu.memory_space<vmem>>) target(%dma_start3A_146 : memref<10240x128xf32, #tpu.memory_space<vmem_shared>>) offsets(%dma_start3A_143 : memref<80xi32, #tpu.memory_space<vmem>>) semaphore(%arg22 : memref<!tpu.dma_semaphore, #tpu.memory_space<semaphore_mem>>) {add = true}
      %mul3A_147 = arith.constant 3 : i32
      %mul3A_148 = arith.muli %add3A_86, %mul3A_147 : i32
      %add3A_149 = arith.constant 2 : i32
      %add3A_150 = arith.addi %mul3A_148, %add3A_149 : i32
      %add3A_151 = arith.constant 2 : i32
      %add3A_152 = arith.addi %add3A_150, %add3A_151 : i32
      %le3A_153 = arith.constant 124 : i32
      %le3A_154 = arith.cmpi sle, %add3A_152, %le3A_153 : i32
      %convert_element_type3A_155 = arith.extui %le3A_154 : i1 to i32
      %cond3A_156 = arith.constant 0 : i32
      %cond3A_157 = arith.cmpi ne, %convert_element_type3A_155, %cond3A_156 : i32
      scf.if %cond3A_157 {
        %add3A_179 = arith.constant 2 : i32
        %add3A_180 = arith.addi %add3A_150, %add3A_179 : i32
        %mul3A_181 = arith.constant 80 : i32
        %mul3A_182 = arith.muli %add3A_180, %mul3A_181 : i32
        %add3A_183 = arith.addi %mul3A_2, %mul3A_182 : i32
        %dma_start3A_184 = tpu.memref_slice %arg3[%add3A_183] : memref<320000xi32, #tpu.memory_space<hbm>> -> memref<80xi32, #tpu.memory_space<hbm>>
        %dma_start3A_185 = tpu.memref_slice %arg3[%add3A_183] : memref<320000xi32, #tpu.memory_space<hbm>> -> memref<80xi32, #tpu.memory_space<hbm>>
        tpu.enqueue_dma source(%dma_start3A_185 : memref<80xi32, #tpu.memory_space<hbm>>) target(%arg9 : memref<80xi32, #tpu.memory_space<vmem>>) target_semaphore(%arg16 : memref<!tpu.dma_semaphore, #tpu.memory_space<semaphore_mem>>)
      } else {
      }
      %ge3A_158 = arith.constant 2 : i32
      %ge3A_159 = arith.cmpi sge, %add3A_150, %ge3A_158 : i32
      %convert_element_type3A_160 = arith.extui %ge3A_159 : i1 to i32
      %cond3A_161 = arith.constant 0 : i32
      %cond3A_162 = arith.cmpi ne, %convert_element_type3A_160, %cond3A_161 : i32
      scf.if %cond3A_162 {
        %sub3A = arith.constant 2 : i32
        %sub3A_179 = arith.subi %add3A_150, %sub3A : i32
        %dma_wait3A_180 = arith.constant 0 : i32
        %dma_wait3A_181 = tpu.memref_slice %arg7[%sub3A_179, %dma_wait3A_180] : memref<125x80xi32, #tpu.memory_space<vmem>> -> memref<1x80xi32, #tpu.memory_space<vmem>>
        %dma_wait3A_182 = tpu.memref_squeeze %dma_wait3A_181 : memref<1x80xi32, #tpu.memory_space<vmem>> -> memref<80xi32, #tpu.memory_space<vmem>>
        %dma_wait3A_183 = arith.constant 0 : i32
        %dma_wait3A_184 = arith.constant 0 : i32
        %dma_wait3A_185 = tpu.memref_slice %arg14[%dma_wait3A_183, %dma_wait3A_184] : memref<10240x128xf32, #tpu.memory_space<vmem_shared>> -> memref<10240x128xf32, #tpu.memory_space<vmem_shared>>
        tpu.wait_indirect_dma semaphore(%arg21 : memref<!tpu.dma_semaphore, #tpu.memory_space<semaphore_mem>>) src(%arg11 : memref<80x128xf32, #tpu.memory_space<vmem>>) dst(%dma_wait3A_185 : memref<10240x128xf32, #tpu.memory_space<vmem_shared>>)
      } else {
      }
      %add3A_163 = arith.constant 1 : i32
      %add3A_164 = arith.addi %add3A_150, %add3A_163 : i32
      %le3A_165 = arith.constant 124 : i32
      %le3A_166 = arith.cmpi sle, %add3A_164, %le3A_165 : i32
      %convert_element_type3A_167 = arith.extui %le3A_166 : i1 to i32
      %cond3A_168 = arith.constant 0 : i32
      %cond3A_169 = arith.cmpi ne, %convert_element_type3A_167, %cond3A_168 : i32
      scf.if %cond3A_169 {
        %add3A_179 = arith.constant 1 : i32
        %add3A_180 = arith.addi %add3A_150, %add3A_179 : i32
        %mul3A_181 = arith.constant 80 : i32
        %mul3A_182 = arith.muli %add3A_180, %mul3A_181 : i32
        %add3A_183 = arith.addi %mul3A_2, %mul3A_182 : i32
        %dma_wait3A_184 = tpu.memref_slice %arg3[%add3A_183] : memref<320000xi32, #tpu.memory_space<hbm>> -> memref<80xi32, #tpu.memory_space<hbm>>
        %dma_wait3A_185 = tpu.memref_slice %arg3[%add3A_183] : memref<320000xi32, #tpu.memory_space<hbm>> -> memref<80xi32, #tpu.memory_space<hbm>>
        tpu.wait_dma2 semaphore(%arg15 : memref<!tpu.dma_semaphore, #tpu.memory_space<semaphore_mem>>) src(%dma_wait3A_185 : memref<80xi32, #tpu.memory_space<hbm>>) dst(%arg8 : memref<80xi32, #tpu.memory_space<vmem>>)
        %dma_start3A_186 = arith.constant 0 : i32
        %dma_start3A_187 = arith.constant 0 : i32
        %dma_start3A_188 = tpu.memref_slice %arg2[%dma_start3A_186, %dma_start3A_187] : memref<10000x128xf32, #tpu.memory_space<hbm>> -> memref<10000x128xf32, #tpu.memory_space<hbm>>
        tpu.enqueue_indirect_dma source(%dma_start3A_188 : memref<10000x128xf32, #tpu.memory_space<hbm>>) target(%arg11 : memref<80x128xf32, #tpu.memory_space<vmem>>) offsets(%arg8 : memref<80xi32, #tpu.memory_space<vmem>>) semaphore(%arg18 : memref<!tpu.dma_semaphore, #tpu.memory_space<semaphore_mem>>)
      } else {
      }
      %dma_wait3A_170 = arith.constant 0 : i32
      %dma_wait3A_171 = arith.constant 0 : i32
      %dma_wait3A_172 = tpu.memref_slice %arg2[%dma_wait3A_170, %dma_wait3A_171] : memref<10000x128xf32, #tpu.memory_space<hbm>> -> memref<10000x128xf32, #tpu.memory_space<hbm>>
      tpu.wait_indirect_dma semaphore(%arg20 : memref<!tpu.dma_semaphore, #tpu.memory_space<semaphore_mem>>) src(%dma_wait3A_172 : memref<10000x128xf32, #tpu.memory_space<hbm>>) dst(%arg13 : memref<80x128xf32, #tpu.memory_space<vmem>>)
      %dma_start3A_173 = arith.constant 0 : i32
      %dma_start3A_174 = tpu.memref_slice %arg7[%add3A_150, %dma_start3A_173] : memref<125x80xi32, #tpu.memory_space<vmem>> -> memref<1x80xi32, #tpu.memory_space<vmem>>
      %dma_start3A_175 = tpu.memref_squeeze %dma_start3A_174 : memref<1x80xi32, #tpu.memory_space<vmem>> -> memref<80xi32, #tpu.memory_space<vmem>>
      %dma_start3A_176 = arith.constant 0 : i32
      %dma_start3A_177 = arith.constant 0 : i32
      %dma_start3A_178 = tpu.memref_slice %arg14[%dma_start3A_176, %dma_start3A_177] : memref<10240x128xf32, #tpu.memory_space<vmem_shared>> -> memref<10240x128xf32, #tpu.memory_space<vmem_shared>>
      tpu.enqueue_indirect_dma source(%arg13 : memref<80x128xf32, #tpu.memory_space<vmem>>) target(%dma_start3A_178 : memref<10240x128xf32, #tpu.memory_space<vmem_shared>>) offsets(%dma_start3A_175 : memref<80xi32, #tpu.memory_space<vmem>>) semaphore(%arg23 : memref<!tpu.dma_semaphore, #tpu.memory_space<semaphore_mem>>) {add = true}
    }
    %scan3A_21 = arith.constant 41 : i32
    %dma_wait3A_22 = arith.constant 121 : i32
    %dma_wait3A_23 = arith.constant 0 : i32
    %dma_wait3A_24 = tpu.memref_slice %arg7[%dma_wait3A_22, %dma_wait3A_23] : memref<125x80xi32, #tpu.memory_space<vmem>> -> memref<1x80xi32, #tpu.memory_space<vmem>>
    %dma_wait3A_25 = tpu.memref_squeeze %dma_wait3A_24 : memref<1x80xi32, #tpu.memory_space<vmem>> -> memref<80xi32, #tpu.memory_space<vmem>>
    %dma_wait3A_26 = arith.constant 0 : i32
    %dma_wait3A_27 = arith.constant 0 : i32
    %dma_wait3A_28 = tpu.memref_slice %arg14[%dma_wait3A_26, %dma_wait3A_27] : memref<10240x128xf32, #tpu.memory_space<vmem_shared>> -> memref<10240x128xf32, #tpu.memory_space<vmem_shared>>
    tpu.wait_indirect_dma semaphore(%arg22 : memref<!tpu.dma_semaphore, #tpu.memory_space<semaphore_mem>>) src(%arg12 : memref<80x128xf32, #tpu.memory_space<vmem>>) dst(%dma_wait3A_28 : memref<10240x128xf32, #tpu.memory_space<vmem_shared>>)
    %add3A_29 = arith.constant 9920 : i32
    %add3A_30 = arith.addi %mul3A_2, %add3A_29 : i32
    %dma_wait3A_31 = tpu.memref_slice %arg3[%add3A_30] : memref<320000xi32, #tpu.memory_space<hbm>> -> memref<80xi32, #tpu.memory_space<hbm>>
    %dma_wait3A_32 = tpu.memref_slice %arg3[%add3A_30] : memref<320000xi32, #tpu.memory_space<hbm>> -> memref<80xi32, #tpu.memory_space<hbm>>
    tpu.wait_dma2 semaphore(%arg16 : memref<!tpu.dma_semaphore, #tpu.memory_space<semaphore_mem>>) src(%dma_wait3A_32 : memref<80xi32, #tpu.memory_space<hbm>>) dst(%arg9 : memref<80xi32, #tpu.memory_space<vmem>>)
    %dma_start3A_33 = arith.constant 0 : i32
    %dma_start3A_34 = arith.constant 0 : i32
    %dma_start3A_35 = tpu.memref_slice %arg2[%dma_start3A_33, %dma_start3A_34] : memref<10000x128xf32, #tpu.memory_space<hbm>> -> memref<10000x128xf32, #tpu.memory_space<hbm>>
    tpu.enqueue_indirect_dma source(%dma_start3A_35 : memref<10000x128xf32, #tpu.memory_space<hbm>>) target(%arg12 : memref<80x128xf32, #tpu.memory_space<vmem>>) offsets(%arg9 : memref<80xi32, #tpu.memory_space<vmem>>) semaphore(%arg19 : memref<!tpu.dma_semaphore, #tpu.memory_space<semaphore_mem>>)
    %dma_wait3A_36 = arith.constant 0 : i32
    %dma_wait3A_37 = arith.constant 0 : i32
    %dma_wait3A_38 = tpu.memref_slice %arg2[%dma_wait3A_36, %dma_wait3A_37] : memref<10000x128xf32, #tpu.memory_space<hbm>> -> memref<10000x128xf32, #tpu.memory_space<hbm>>
    tpu.wait_indirect_dma semaphore(%arg18 : memref<!tpu.dma_semaphore, #tpu.memory_space<semaphore_mem>>) src(%dma_wait3A_38 : memref<10000x128xf32, #tpu.memory_space<hbm>>) dst(%arg11 : memref<80x128xf32, #tpu.memory_space<vmem>>)
    %dma_start3A_39 = arith.constant 123 : i32
    %dma_start3A_40 = arith.constant 0 : i32
    %dma_start3A_41 = tpu.memref_slice %arg7[%dma_start3A_39, %dma_start3A_40] : memref<125x80xi32, #tpu.memory_space<vmem>> -> memref<1x80xi32, #tpu.memory_space<vmem>>
    %dma_start3A_42 = tpu.memref_squeeze %dma_start3A_41 : memref<1x80xi32, #tpu.memory_space<vmem>> -> memref<80xi32, #tpu.memory_space<vmem>>
    %dma_start3A_43 = arith.constant 0 : i32
    %dma_start3A_44 = arith.constant 0 : i32
    %dma_start3A_45 = tpu.memref_slice %arg14[%dma_start3A_43, %dma_start3A_44] : memref<10240x128xf32, #tpu.memory_space<vmem_shared>> -> memref<10240x128xf32, #tpu.memory_space<vmem_shared>>
    tpu.enqueue_indirect_dma source(%arg11 : memref<80x128xf32, #tpu.memory_space<vmem>>) target(%dma_start3A_45 : memref<10240x128xf32, #tpu.memory_space<vmem_shared>>) offsets(%dma_start3A_42 : memref<80xi32, #tpu.memory_space<vmem>>) semaphore(%arg21 : memref<!tpu.dma_semaphore, #tpu.memory_space<semaphore_mem>>) {add = true}
    %dma_wait3A_46 = arith.constant 122 : i32
    %dma_wait3A_47 = arith.constant 0 : i32
    %dma_wait3A_48 = tpu.memref_slice %arg7[%dma_wait3A_46, %dma_wait3A_47] : memref<125x80xi32, #tpu.memory_space<vmem>> -> memref<1x80xi32, #tpu.memory_space<vmem>>
    %dma_wait3A_49 = tpu.memref_squeeze %dma_wait3A_48 : memref<1x80xi32, #tpu.memory_space<vmem>> -> memref<80xi32, #tpu.memory_space<vmem>>
    %dma_wait3A_50 = arith.constant 0 : i32
    %dma_wait3A_51 = arith.constant 0 : i32
    %dma_wait3A_52 = tpu.memref_slice %arg14[%dma_wait3A_50, %dma_wait3A_51] : memref<10240x128xf32, #tpu.memory_space<vmem_shared>> -> memref<10240x128xf32, #tpu.memory_space<vmem_shared>>
    tpu.wait_indirect_dma semaphore(%arg23 : memref<!tpu.dma_semaphore, #tpu.memory_space<semaphore_mem>>) src(%arg13 : memref<80x128xf32, #tpu.memory_space<vmem>>) dst(%dma_wait3A_52 : memref<10240x128xf32, #tpu.memory_space<vmem_shared>>)
    %dma_wait3A_53 = arith.constant 0 : i32
    %dma_wait3A_54 = arith.constant 0 : i32
    %dma_wait3A_55 = tpu.memref_slice %arg2[%dma_wait3A_53, %dma_wait3A_54] : memref<10000x128xf32, #tpu.memory_space<hbm>> -> memref<10000x128xf32, #tpu.memory_space<hbm>>
    tpu.wait_indirect_dma semaphore(%arg19 : memref<!tpu.dma_semaphore, #tpu.memory_space<semaphore_mem>>) src(%dma_wait3A_55 : memref<10000x128xf32, #tpu.memory_space<hbm>>) dst(%arg12 : memref<80x128xf32, #tpu.memory_space<vmem>>)
    %dma_start3A_56 = arith.constant 124 : i32
    %dma_start3A_57 = arith.constant 0 : i32
    %dma_start3A_58 = tpu.memref_slice %arg7[%dma_start3A_56, %dma_start3A_57] : memref<125x80xi32, #tpu.memory_space<vmem>> -> memref<1x80xi32, #tpu.memory_space<vmem>>
    %dma_start3A_59 = tpu.memref_squeeze %dma_start3A_58 : memref<1x80xi32, #tpu.memory_space<vmem>> -> memref<80xi32, #tpu.memory_space<vmem>>
    %dma_start3A_60 = arith.constant 0 : i32
    %dma_start3A_61 = arith.constant 0 : i32
    %dma_start3A_62 = tpu.memref_slice %arg14[%dma_start3A_60, %dma_start3A_61] : memref<10240x128xf32, #tpu.memory_space<vmem_shared>> -> memref<10240x128xf32, #tpu.memory_space<vmem_shared>>
    tpu.enqueue_indirect_dma source(%arg12 : memref<80x128xf32, #tpu.memory_space<vmem>>) target(%dma_start3A_62 : memref<10240x128xf32, #tpu.memory_space<vmem_shared>>) offsets(%dma_start3A_59 : memref<80xi32, #tpu.memory_space<vmem>>) semaphore(%arg22 : memref<!tpu.dma_semaphore, #tpu.memory_space<semaphore_mem>>) {add = true}
    %dma_wait3A_63 = arith.constant 123 : i32
    %dma_wait3A_64 = arith.constant 0 : i32
    %dma_wait3A_65 = tpu.memref_slice %arg7[%dma_wait3A_63, %dma_wait3A_64] : memref<125x80xi32, #tpu.memory_space<vmem>> -> memref<1x80xi32, #tpu.memory_space<vmem>>
    %dma_wait3A_66 = tpu.memref_squeeze %dma_wait3A_65 : memref<1x80xi32, #tpu.memory_space<vmem>> -> memref<80xi32, #tpu.memory_space<vmem>>
    %dma_wait3A_67 = arith.constant 0 : i32
    %dma_wait3A_68 = arith.constant 0 : i32
    %dma_wait3A_69 = tpu.memref_slice %arg14[%dma_wait3A_67, %dma_wait3A_68] : memref<10240x128xf32, #tpu.memory_space<vmem_shared>> -> memref<10240x128xf32, #tpu.memory_space<vmem_shared>>
    tpu.wait_indirect_dma semaphore(%arg21 : memref<!tpu.dma_semaphore, #tpu.memory_space<semaphore_mem>>) src(%arg11 : memref<80x128xf32, #tpu.memory_space<vmem>>) dst(%dma_wait3A_69 : memref<10240x128xf32, #tpu.memory_space<vmem_shared>>)
    %dma_wait3A_70 = arith.constant 124 : i32
    %dma_wait3A_71 = arith.constant 0 : i32
    %dma_wait3A_72 = tpu.memref_slice %arg7[%dma_wait3A_70, %dma_wait3A_71] : memref<125x80xi32, #tpu.memory_space<vmem>> -> memref<1x80xi32, #tpu.memory_space<vmem>>
    %dma_wait3A_73 = tpu.memref_squeeze %dma_wait3A_72 : memref<1x80xi32, #tpu.memory_space<vmem>> -> memref<80xi32, #tpu.memory_space<vmem>>
    %dma_wait3A_74 = arith.constant 0 : i32
    %dma_wait3A_75 = arith.constant 0 : i32
    %dma_wait3A_76 = tpu.memref_slice %arg14[%dma_wait3A_74, %dma_wait3A_75] : memref<10240x128xf32, #tpu.memory_space<vmem_shared>> -> memref<10240x128xf32, #tpu.memory_space<vmem_shared>>
    tpu.wait_indirect_dma semaphore(%arg22 : memref<!tpu.dma_semaphore, #tpu.memory_space<semaphore_mem>>) src(%arg12 : memref<80x128xf32, #tpu.memory_space<vmem>>) dst(%dma_wait3A_76 : memref<10240x128xf32, #tpu.memory_space<vmem_shared>>)
    %barrier3A_77 = arith.constant 0 : index
    tpu.barrier barrier_id(%barrier3A_77)
    %mul3A_78 = arith.constant 640 : i32
    %mul3A_79 = arith.muli %arg1, %mul3A_78 : i32
    %mul3A_80 = arith.constant 640 : i32
    %mul3A_81 = arith.muli %arg1, %mul3A_80 : i32
    "tpu.region"() ({
      %run_scoped3A = tpu.sem_alloc : memref<!tpu.dma_semaphore, #tpu.memory_space<semaphore_mem>>
      %dma_start3A_82 = arith.constant 0 : i32
      %dma_start3A_83 = tpu.memref_slice %arg6[%arg0, %mul3A_81, %dma_start3A_82] : memref<2x10240x128xf32, #tpu.memory_space<hbm>> -> memref<1x640x128xf32, #tpu.memory_space<hbm>>
      %dma_start3A_84 = tpu.memref_squeeze %dma_start3A_83 : memref<1x640x128xf32, #tpu.memory_space<hbm>> -> memref<640x128xf32, #tpu.memory_space<hbm>>
      %dma_start3A_85 = arith.constant 0 : i32
      %dma_start3A_86 = tpu.memref_slice %arg14[%mul3A_79, %dma_start3A_85] : memref<10240x128xf32, #tpu.memory_space<vmem_shared>> -> memref<640x128xf32, #tpu.memory_space<vmem_shared>>
      tpu.enqueue_dma source(%dma_start3A_86 : memref<640x128xf32, #tpu.memory_space<vmem_shared>>) target(%dma_start3A_84 : memref<640x128xf32, #tpu.memory_space<hbm>>) target_semaphore(%run_scoped3A : memref<!tpu.dma_semaphore, #tpu.memory_space<semaphore_mem>>)
      %dma_wait3A_87 = arith.constant 0 : i32
      %dma_wait3A_88 = tpu.memref_slice %arg6[%arg0, %mul3A_81, %dma_wait3A_87] : memref<2x10240x128xf32, #tpu.memory_space<hbm>> -> memref<1x640x128xf32, #tpu.memory_space<hbm>>
      %dma_wait3A_89 = tpu.memref_squeeze %dma_wait3A_88 : memref<1x640x128xf32, #tpu.memory_space<hbm>> -> memref<640x128xf32, #tpu.memory_space<hbm>>
      %dma_wait3A_90 = arith.constant 0 : i32
      %dma_wait3A_91 = tpu.memref_slice %arg14[%mul3A_79, %dma_wait3A_90] : memref<10240x128xf32, #tpu.memory_space<vmem_shared>> -> memref<640x128xf32, #tpu.memory_space<vmem_shared>>
      tpu.wait_dma2 semaphore(%run_scoped3A : memref<!tpu.dma_semaphore, #tpu.memory_space<semaphore_mem>>) src(%dma_wait3A_91 : memref<640x128xf32, #tpu.memory_space<vmem_shared>>) dst(%dma_wait3A_89 : memref<640x128xf32, #tpu.memory_space<hbm>>)
      tpu.yield
    }) : () -> ()
    return
  }
}

#map = affine_map<(d0, d1) -> (0, 0)>
#map1 = affine_map<(d0, d1) -> (0)>
#map2 = affine_map<(d0, d1) -> (0, 0, 0)>
module attributes {stable_mosaic.version = 14 : i64} {
  func.func @k(%arg0: i32, %arg1: i32, %arg2: memref<10000x128xf32, #tpu.memory_space<hbm>>, %arg3: memref<320000xi32, #tpu.memory_space<hbm>>, %arg4: memref<32x125x80xi32, #tpu.memory_space<hbm>>, %arg5: memref<640x128xf32, #tpu.memory_space<hbm>>, %arg6: memref<2x10240x128xf32, #tpu.memory_space<hbm>>, %arg7: memref<125x80xi32, #tpu.memory_space<vmem>>, %arg8: memref<80xi32, #tpu.memory_space<vmem>>, %arg9: memref<80xi32, #tpu.memory_space<vmem>>, %arg10: memref<80xi32, #tpu.memory_space<vmem>>, %arg11: memref<80x128xf32, #tpu.memory_space<vmem>>, %arg12: memref<80x128xf32, #tpu.memory_space<vmem>>, %arg13: memref<80x128xf32, #tpu.memory_space<vmem>>, %arg14: memref<10240x128xf32, #tpu.memory_space<vmem_shared>>, %arg15: memref<!tpu.dma_semaphore, #tpu.memory_space<semaphore_mem>>, %arg16: memref<!tpu.dma_semaphore, #tpu.memory_space<semaphore_mem>>, %arg17: memref<!tpu.dma_semaphore, #tpu.memory_space<semaphore_mem>>, %arg18: memref<!tpu.dma_semaphore, #tpu.memory_space<semaphore_mem>>, %arg19: memref<!tpu.dma_semaphore, #tpu.memory_space<semaphore_mem>>, %arg20: memref<!tpu.dma_semaphore, #tpu.memory_space<semaphore_mem>>, %arg21: memref<!tpu.dma_semaphore, #tpu.memory_space<semaphore_mem>>, %arg22: memref<!tpu.dma_semaphore, #tpu.memory_space<semaphore_mem>>, %arg23: memref<!tpu.dma_semaphore, #tpu.memory_space<semaphore_mem>>) attributes {dimension_semantics = [#tpu.dimension_semantics<core_parallel>, #tpu.dimension_semantics<subcore_parallel>], iteration_bounds = array<i64: 2, 16>, scalar_prefetch = 0 : i64, scratch_operands = 17 : i64, tpu.core_type = #tpu.core_type<sc_vector_subcore>, window_params = [{transform_indices = #map}, {transform_indices = #map1}, {transform_indices = #map2}, {transform_indices = #map}, {transform_indices = #map2}]} {
    %mul3A = arith.constant 16 : i32
    %mul3A_0 = arith.muli %arg0, %mul3A : i32
    %add3A = arith.addi %mul3A_0, %arg1 : i32
    %mul3A_1 = arith.constant 10000 : i32
    %mul3A_2 = arith.muli %add3A, %mul3A_1 : i32
    "tpu.region"() ({
      %run_scoped3A = tpu.sem_alloc : memref<!tpu.dma_semaphore, #tpu.memory_space<semaphore_mem>>
      %dma_start3A_82 = arith.constant 0 : i32
      %dma_start3A_83 = arith.constant 0 : i32
      %dma_start3A_84 = tpu.memref_slice %arg4[%add3A, %dma_start3A_82, %dma_start3A_83] : memref<32x125x80xi32, #tpu.memory_space<hbm>> -> memref<1x125x80xi32, #tpu.memory_space<hbm>>
      %dma_start3A_85 = tpu.memref_squeeze %dma_start3A_84 : memref<1x125x80xi32, #tpu.memory_space<hbm>> -> memref<125x80xi32, #tpu.memory_space<hbm>>
      %dma_start3A_86 = arith.constant 0 : i32
      %dma_start3A_87 = arith.constant 0 : i32
      %dma_start3A_88 = tpu.memref_slice %arg4[%add3A, %dma_start3A_86, %dma_start3A_87] : memref<32x125x80xi32, #tpu.memory_space<hbm>> -> memref<1x125x80xi32, #tpu.memory_space<hbm>>
      %dma_start3A_89 = tpu.memref_squeeze %dma_start3A_88 : memref<1x125x80xi32, #tpu.memory_space<hbm>> -> memref<125x80xi32, #tpu.memory_space<hbm>>
      tpu.enqueue_dma source(%dma_start3A_89 : memref<125x80xi32, #tpu.memory_space<hbm>>) target(%arg7 : memref<125x80xi32, #tpu.memory_space<vmem>>) target_semaphore(%run_scoped3A : memref<!tpu.dma_semaphore, #tpu.memory_space<semaphore_mem>>)
      %dma_wait3A_90 = arith.constant 0 : i32
      %dma_wait3A_91 = arith.constant 0 : i32
      %dma_wait3A_92 = tpu.memref_slice %arg4[%add3A, %dma_wait3A_90, %dma_wait3A_91] : memref<32x125x80xi32, #tpu.memory_space<hbm>> -> memref<1x125x80xi32, #tpu.memory_space<hbm>>
      %dma_wait3A_93 = tpu.memref_squeeze %dma_wait3A_92 : memref<1x125x80xi32, #tpu.memory_space<hbm>> -> memref<125x80xi32, #tpu.memory_space<hbm>>
      %dma_wait3A_94 = arith.constant 0 : i32
      %dma_wait3A_95 = arith.constant 0 : i32
      %dma_wait3A_96 = tpu.memref_slice %arg4[%add3A, %dma_wait3A_94, %dma_wait3A_95] : memref<32x125x80xi32, #tpu.memory_space<hbm>> -> memref<1x125x80xi32, #tpu.memory_space<hbm>>
      %dma_wait3A_97 = tpu.memref_squeeze %dma_wait3A_96 : memref<1x125x80xi32, #tpu.memory_space<hbm>> -> memref<125x80xi32, #tpu.memory_space<hbm>>
      tpu.wait_dma2 semaphore(%run_scoped3A : memref<!tpu.dma_semaphore, #tpu.memory_space<semaphore_mem>>) src(%dma_wait3A_97 : memref<125x80xi32, #tpu.memory_space<hbm>>) dst(%arg7 : memref<125x80xi32, #tpu.memory_space<vmem>>)
      tpu.yield
    }) : () -> ()
    %add3A_3 = arith.constant 0 : i32
    %add3A_4 = arith.addi %mul3A_2, %add3A_3 : i32
    %dma_start3A = tpu.memref_slice %arg3[%add3A_4] : memref<320000xi32, #tpu.memory_space<hbm>> -> memref<80xi32, #tpu.memory_space<hbm>>
    %dma_start3A_5 = tpu.memref_slice %arg3[%add3A_4] : memref<320000xi32, #tpu.memory_space<hbm>> -> memref<80xi32, #tpu.memory_space<hbm>>
    tpu.enqueue_dma source(%dma_start3A_5 : memref<80xi32, #tpu.memory_space<hbm>>) target(%arg8 : memref<80xi32, #tpu.memory_space<vmem>>) target_semaphore(%arg15 : memref<!tpu.dma_semaphore, #tpu.memory_space<semaphore_mem>>)
    %add3A_6 = arith.constant 80 : i32
    %add3A_7 = arith.addi %mul3A_2, %add3A_6 : i32
    %dma_start3A_8 = tpu.memref_slice %arg3[%add3A_7] : memref<320000xi32, #tpu.memory_space<hbm>> -> memref<80xi32, #tpu.memory_space<hbm>>
    %dma_start3A_9 = tpu.memref_slice %arg3[%add3A_7] : memref<320000xi32, #tpu.memory_space<hbm>> -> memref<80xi32, #tpu.memory_space<hbm>>
    tpu.enqueue_dma source(%dma_start3A_9 : memref<80xi32, #tpu.memory_space<hbm>>) target(%arg9 : memref<80xi32, #tpu.memory_space<vmem>>) target_semaphore(%arg16 : memref<!tpu.dma_semaphore, #tpu.memory_space<semaphore_mem>>)
    %add3A_10 = arith.constant 0 : i32
    %add3A_11 = arith.addi %mul3A_2, %add3A_10 : i32
    %dma_wait3A = tpu.memref_slice %arg3[%add3A_11] : memref<320000xi32, #tpu.memory_space<hbm>> -> memref<80xi32, #tpu.memory_space<hbm>>
    %dma_wait3A_12 = tpu.memref_slice %arg3[%add3A_11] : memref<320000xi32, #tpu.memory_space<hbm>> -> memref<80xi32, #tpu.memory_space<hbm>>
    tpu.wait_dma2 semaphore(%arg15 : memref<!tpu.dma_semaphore, #tpu.memory_space<semaphore_mem>>) src(%dma_wait3A_12 : memref<80xi32, #tpu.memory_space<hbm>>) dst(%arg8 : memref<80xi32, #tpu.memory_space<vmem>>)
    %dma_start3A_13 = arith.constant 0 : i32
    %dma_start3A_14 = arith.constant 0 : i32
    %dma_start3A_15 = tpu.memref_slice %arg2[%dma_start3A_13, %dma_start3A_14] : memref<10000x128xf32, #tpu.memory_space<hbm>> -> memref<10000x128xf32, #tpu.memory_space<hbm>>
    tpu.enqueue_indirect_dma source(%dma_start3A_15 : memref<10000x128xf32, #tpu.memory_space<hbm>>) target(%arg11 : memref<80x128xf32, #tpu.memory_space<vmem>>) offsets(%arg8 : memref<80xi32, #tpu.memory_space<vmem>>) semaphore(%arg18 : memref<!tpu.dma_semaphore, #tpu.memory_space<semaphore_mem>>)
    %mul3A_16 = arith.constant 640 : i32
    %mul3A_17 = arith.muli %arg1, %mul3A_16 : i32
    "tpu.region"() ({
      %run_scoped3A = tpu.sem_alloc : memref<!tpu.dma_semaphore, #tpu.memory_space<semaphore_mem>>
      %dma_start3A_82 = arith.constant 0 : i32
      %dma_start3A_83 = tpu.memref_slice %arg14[%mul3A_17, %dma_start3A_82] : memref<10240x128xf32, #tpu.memory_space<vmem_shared>> -> memref<640x128xf32, #tpu.memory_space<vmem_shared>>
      tpu.enqueue_dma source(%arg5 : memref<640x128xf32, #tpu.memory_space<hbm>>) target(%dma_start3A_83 : memref<640x128xf32, #tpu.memory_space<vmem_shared>>) target_semaphore(%run_scoped3A : memref<!tpu.dma_semaphore, #tpu.memory_space<semaphore_mem>>)
      %dma_wait3A_84 = arith.constant 0 : i32
      %dma_wait3A_85 = tpu.memref_slice %arg14[%mul3A_17, %dma_wait3A_84] : memref<10240x128xf32, #tpu.memory_space<vmem_shared>> -> memref<640x128xf32, #tpu.memory_space<vmem_shared>>
      tpu.wait_dma2 semaphore(%run_scoped3A : memref<!tpu.dma_semaphore, #tpu.memory_space<semaphore_mem>>) src(%arg5 : memref<640x128xf32, #tpu.memory_space<hbm>>) dst(%dma_wait3A_85 : memref<640x128xf32, #tpu.memory_space<vmem_shared>>)
      tpu.yield
    }) : () -> ()
    %barrier3A = arith.constant 0 : index
    tpu.barrier barrier_id(%barrier3A)
    %scan3A = arith.constant 0 : i32
    %scan3A_18 = arith.constant 41 : i32
    %scan3A_19 = arith.addi %scan3A, %scan3A_18 : i32
    %scan3A_20 = arith.constant 1 : i32
    scf.for %scan3A_82 = %scan3A to %scan3A_19 step %scan3A_20  : i32 {
      %mul3A_83 = arith.constant 1 : i32
      %mul3A_84 = arith.muli %scan3A_82, %mul3A_83 : i32
      %add3A_85 = arith.constant 0 : i32
      %add3A_86 = arith.addi %add3A_85, %mul3A_84 : i32
      %mul3A_87 = arith.constant 3 : i32
      %mul3A_88 = arith.muli %add3A_86, %mul3A_87 : i32
      %add3A_89 = arith.constant 0 : i32
      %add3A_90 = arith.addi %mul3A_88, %add3A_89 : i32
      %add3A_91 = arith.constant 2 : i32
      %add3A_92 = arith.addi %add3A_90, %add3A_91 : i32
      %le3A = arith.constant 124 : i32
      %le3A_93 = arith.cmpi sle, %add3A_92, %le3A : i32
      %convert_element_type3A = arith.extui %le3A_93 : i1 to i32
      %cond3A = arith.constant 0 : i32
      %cond3A_94 = arith.cmpi ne, %convert_element_type3A, %cond3A : i32
      scf.if %cond3A_94 {
        %add3A_179 = arith.constant 2 : i32
        %add3A_180 = arith.addi %add3A_90, %add3A_179 : i32
        %mul3A_181 = arith.constant 80 : i32
        %mul3A_182 = arith.muli %add3A_180, %mul3A_181 : i32
        %add3A_183 = arith.addi %mul3A_2, %mul3A_182 : i32
        %dma_start3A_184 = tpu.memref_slice %arg3[%add3A_183] : memref<320000xi32, #tpu.memory_space<hbm>> -> memref<80xi32, #tpu.memory_space<hbm>>
        %dma_start3A_185 = tpu.memref_slice %arg3[%add3A_183] : memref<320000xi32, #tpu.memory_space<hbm>> -> memref<80xi32, #tpu.memory_space<hbm>>
        tpu.enqueue_dma source(%dma_start3A_185 : memref<80xi32, #tpu.memory_space<hbm>>) target(%arg10 : memref<80xi32, #tpu.memory_space<vmem>>) target_semaphore(%arg17 : memref<!tpu.dma_semaphore, #tpu.memory_space<semaphore_mem>>)
      } else {
      }
      %ge3A = arith.constant 2 : i32
      %ge3A_95 = arith.cmpi sge, %add3A_90, %ge3A : i32
      %convert_element_type3A_96 = arith.extui %ge3A_95 : i1 to i32
      %cond3A_97 = arith.constant 0 : i32
      %cond3A_98 = arith.cmpi ne, %convert_element_type3A_96, %cond3A_97 : i32
      scf.if %cond3A_98 {
        %sub3A = arith.constant 2 : i32
        %sub3A_179 = arith.subi %add3A_90, %sub3A : i32
        %dma_wait3A_180 = arith.constant 0 : i32
        %dma_wait3A_181 = tpu.memref_slice %arg7[%sub3A_179, %dma_wait3A_180] : memref<125x80xi32, #tpu.memory_space<vmem>> -> memref<1x80xi32, #tpu.memory_space<vmem>>
        %dma_wait3A_182 = tpu.memref_squeeze %dma_wait3A_181 : memref<1x80xi32, #tpu.memory_space<vmem>> -> memref<80xi32, #tpu.memory_space<vmem>>
        %dma_wait3A_183 = arith.constant 0 : i32
        %dma_wait3A_184 = arith.constant 0 : i32
        %dma_wait3A_185 = tpu.memref_slice %arg14[%dma_wait3A_183, %dma_wait3A_184] : memref<10240x128xf32, #tpu.memory_space<vmem_shared>> -> memref<10240x128xf32, #tpu.memory_space<vmem_shared>>
        tpu.wait_indirect_dma semaphore(%arg22 : memref<!tpu.dma_semaphore, #tpu.memory_space<semaphore_mem>>) src(%arg12 : memref<80x128xf32, #tpu.memory_space<vmem>>) dst(%dma_wait3A_185 : memref<10240x128xf32, #tpu.memory_space<vmem_shared>>)
      } else {
      }
      %add3A_99 = arith.constant 1 : i32
      %add3A_100 = arith.addi %add3A_90, %add3A_99 : i32
      %le3A_101 = arith.constant 124 : i32
      %le3A_102 = arith.cmpi sle, %add3A_100, %le3A_101 : i32
      %convert_element_type3A_103 = arith.extui %le3A_102 : i1 to i32
      %cond3A_104 = arith.constant 0 : i32
      %cond3A_105 = arith.cmpi ne, %convert_element_type3A_103, %cond3A_104 : i32
      scf.if %cond3A_105 {
        %add3A_179 = arith.constant 1 : i32
        %add3A_180 = arith.addi %add3A_90, %add3A_179 : i32
        %mul3A_181 = arith.constant 80 : i32
        %mul3A_182 = arith.muli %add3A_180, %mul3A_181 : i32
        %add3A_183 = arith.addi %mul3A_2, %mul3A_182 : i32
        %dma_wait3A_184 = tpu.memref_slice %arg3[%add3A_183] : memref<320000xi32, #tpu.memory_space<hbm>> -> memref<80xi32, #tpu.memory_space<hbm>>
        %dma_wait3A_185 = tpu.memref_slice %arg3[%add3A_183] : memref<320000xi32, #tpu.memory_space<hbm>> -> memref<80xi32, #tpu.memory_space<hbm>>
        tpu.wait_dma2 semaphore(%arg16 : memref<!tpu.dma_semaphore, #tpu.memory_space<semaphore_mem>>) src(%dma_wait3A_185 : memref<80xi32, #tpu.memory_space<hbm>>) dst(%arg9 : memref<80xi32, #tpu.memory_space<vmem>>)
        %dma_start3A_186 = arith.constant 0 : i32
        %dma_start3A_187 = arith.constant 0 : i32
        %dma_start3A_188 = tpu.memref_slice %arg2[%dma_start3A_186, %dma_start3A_187] : memref<10000x128xf32, #tpu.memory_space<hbm>> -> memref<10000x128xf32, #tpu.memory_space<hbm>>
        tpu.enqueue_indirect_dma source(%dma_start3A_188 : memref<10000x128xf32, #tpu.memory_space<hbm>>) target(%arg12 : memref<80x128xf32, #tpu.memory_space<vmem>>) offsets(%arg9 : memref<80xi32, #tpu.memory_space<vmem>>) semaphore(%arg19 : memref<!tpu.dma_semaphore, #tpu.memory_space<semaphore_mem>>)
      } else {
      }
      %dma_wait3A_106 = arith.constant 0 : i32
      %dma_wait3A_107 = arith.constant 0 : i32
      %dma_wait3A_108 = tpu.memref_slice %arg2[%dma_wait3A_106, %dma_wait3A_107] : memref<10000x128xf32, #tpu.memory_space<hbm>> -> memref<10000x128xf32, #tpu.memory_space<hbm>>
      tpu.wait_indirect_dma semaphore(%arg18 : memref<!tpu.dma_semaphore, #tpu.memory_space<semaphore_mem>>) src(%dma_wait3A_108 : memref<10000x128xf32, #tpu.memory_space<hbm>>) dst(%arg11 : memref<80x128xf32, #tpu.memory_space<vmem>>)
      %dma_start3A_109 = arith.constant 0 : i32
      %dma_start3A_110 = tpu.memref_slice %arg7[%add3A_90, %dma_start3A_109] : memref<125x80xi32, #tpu.memory_space<vmem>> -> memref<1x80xi32, #tpu.memory_space<vmem>>
      %dma_start3A_111 = tpu.memref_squeeze %dma_start3A_110 : memref<1x80xi32, #tpu.memory_space<vmem>> -> memref<80xi32, #tpu.memory_space<vmem>>
      %dma_start3A_112 = arith.constant 0 : i32
      %dma_start3A_113 = arith.constant 0 : i32
      %dma_start3A_114 = tpu.memref_slice %arg14[%dma_start3A_112, %dma_start3A_113] : memref<10240x128xf32, #tpu.memory_space<vmem_shared>> -> memref<10240x128xf32, #tpu.memory_space<vmem_shared>>
      tpu.enqueue_indirect_dma source(%arg11 : memref<80x128xf32, #tpu.memory_space<vmem>>) target(%dma_start3A_114 : memref<10240x128xf32, #tpu.memory_space<vmem_shared>>) offsets(%dma_start3A_111 : memref<80xi32, #tpu.memory_space<vmem>>) semaphore(%arg21 : memref<!tpu.dma_semaphore, #tpu.memory_space<semaphore_mem>>) {add = true}
      %mul3A_115 = arith.constant 3 : i32
      %mul3A_116 = arith.muli %add3A_86, %mul3A_115 : i32
      %add3A_117 = arith.constant 1 : i32
      %add3A_118 = arith.addi %mul3A_116, %add3A_117 : i32
      %add3A_119 = arith.constant 2 : i32
      %add3A_120 = arith.addi %add3A_118, %add3A_119 : i32
      %le3A_121 = arith.constant 124 : i32
      %le3A_122 = arith.cmpi sle, %add3A_120, %le3A_121 : i32
      %convert_element_type3A_123 = arith.extui %le3A_122 : i1 to i32
      %cond3A_124 = arith.constant 0 : i32
      %cond3A_125 = arith.cmpi ne, %convert_element_type3A_123, %cond3A_124 : i32
      scf.if %cond3A_125 {
        %add3A_179 = arith.constant 2 : i32
        %add3A_180 = arith.addi %add3A_118, %add3A_179 : i32
        %mul3A_181 = arith.constant 80 : i32
        %mul3A_182 = arith.muli %add3A_180, %mul3A_181 : i32
        %add3A_183 = arith.addi %mul3A_2, %mul3A_182 : i32
        %dma_start3A_184 = tpu.memref_slice %arg3[%add3A_183] : memref<320000xi32, #tpu.memory_space<hbm>> -> memref<80xi32, #tpu.memory_space<hbm>>
        %dma_start3A_185 = tpu.memref_slice %arg3[%add3A_183] : memref<320000xi32, #tpu.memory_space<hbm>> -> memref<80xi32, #tpu.memory_space<hbm>>
        tpu.enqueue_dma source(%dma_start3A_185 : memref<80xi32, #tpu.memory_space<hbm>>) target(%arg8 : memref<80xi32, #tpu.memory_space<vmem>>) target_semaphore(%arg15 : memref<!tpu.dma_semaphore, #tpu.memory_space<semaphore_mem>>)
      } else {
      }
      %ge3A_126 = arith.constant 2 : i32
      %ge3A_127 = arith.cmpi sge, %add3A_118, %ge3A_126 : i32
      %convert_element_type3A_128 = arith.extui %ge3A_127 : i1 to i32
      %cond3A_129 = arith.constant 0 : i32
      %cond3A_130 = arith.cmpi ne, %convert_element_type3A_128, %cond3A_129 : i32
      scf.if %cond3A_130 {
        %sub3A = arith.constant 2 : i32
        %sub3A_179 = arith.subi %add3A_118, %sub3A : i32
        %dma_wait3A_180 = arith.constant 0 : i32
        %dma_wait3A_181 = tpu.memref_slice %arg7[%sub3A_179, %dma_wait3A_180] : memref<125x80xi32, #tpu.memory_space<vmem>> -> memref<1x80xi32, #tpu.memory_space<vmem>>
        %dma_wait3A_182 = tpu.memref_squeeze %dma_wait3A_181 : memref<1x80xi32, #tpu.memory_space<vmem>> -> memref<80xi32, #tpu.memory_space<vmem>>
        %dma_wait3A_183 = arith.constant 0 : i32
        %dma_wait3A_184 = arith.constant 0 : i32
        %dma_wait3A_185 = tpu.memref_slice %arg14[%dma_wait3A_183, %dma_wait3A_184] : memref<10240x128xf32, #tpu.memory_space<vmem_shared>> -> memref<10240x128xf32, #tpu.memory_space<vmem_shared>>
        tpu.wait_indirect_dma semaphore(%arg23 : memref<!tpu.dma_semaphore, #tpu.memory_space<semaphore_mem>>) src(%arg13 : memref<80x128xf32, #tpu.memory_space<vmem>>) dst(%dma_wait3A_185 : memref<10240x128xf32, #tpu.memory_space<vmem_shared>>)
      } else {
      }
      %add3A_131 = arith.constant 1 : i32
      %add3A_132 = arith.addi %add3A_118, %add3A_131 : i32
      %le3A_133 = arith.constant 124 : i32
      %le3A_134 = arith.cmpi sle, %add3A_132, %le3A_133 : i32
      %convert_element_type3A_135 = arith.extui %le3A_134 : i1 to i32
      %cond3A_136 = arith.constant 0 : i32
      %cond3A_137 = arith.cmpi ne, %convert_element_type3A_135, %cond3A_136 : i32
      scf.if %cond3A_137 {
        %add3A_179 = arith.constant 1 : i32
        %add3A_180 = arith.addi %add3A_118, %add3A_179 : i32
        %mul3A_181 = arith.constant 80 : i32
        %mul3A_182 = arith.muli %add3A_180, %mul3A_181 : i32
        %add3A_183 = arith.addi %mul3A_2, %mul3A_182 : i32
        %dma_wait3A_184 = tpu.memref_slice %arg3[%add3A_183] : memref<320000xi32, #tpu.memory_space<hbm>> -> memref<80xi32, #tpu.memory_space<hbm>>
        %dma_wait3A_185 = tpu.memref_slice %arg3[%add3A_183] : memref<320000xi32, #tpu.memory_space<hbm>> -> memref<80xi32, #tpu.memory_space<hbm>>
        tpu.wait_dma2 semaphore(%arg17 : memref<!tpu.dma_semaphore, #tpu.memory_space<semaphore_mem>>) src(%dma_wait3A_185 : memref<80xi32, #tpu.memory_space<hbm>>) dst(%arg10 : memref<80xi32, #tpu.memory_space<vmem>>)
        %dma_start3A_186 = arith.constant 0 : i32
        %dma_start3A_187 = arith.constant 0 : i32
        %dma_start3A_188 = tpu.memref_slice %arg2[%dma_start3A_186, %dma_start3A_187] : memref<10000x128xf32, #tpu.memory_space<hbm>> -> memref<10000x128xf32, #tpu.memory_space<hbm>>
        tpu.enqueue_indirect_dma source(%dma_start3A_188 : memref<10000x128xf32, #tpu.memory_space<hbm>>) target(%arg13 : memref<80x128xf32, #tpu.memory_space<vmem>>) offsets(%arg10 : memref<80xi32, #tpu.memory_space<vmem>>) semaphore(%arg20 : memref<!tpu.dma_semaphore, #tpu.memory_space<semaphore_mem>>)
      } else {
      }
      %dma_wait3A_138 = arith.constant 0 : i32
      %dma_wait3A_139 = arith.constant 0 : i32
      %dma_wait3A_140 = tpu.memref_slice %arg2[%dma_wait3A_138, %dma_wait3A_139] : memref<10000x128xf32, #tpu.memory_space<hbm>> -> memref<10000x128xf32, #tpu.memory_space<hbm>>
      tpu.wait_indirect_dma semaphore(%arg19 : memref<!tpu.dma_semaphore, #tpu.memory_space<semaphore_mem>>) src(%dma_wait3A_140 : memref<10000x128xf32, #tpu.memory_space<hbm>>) dst(%arg12 : memref<80x128xf32, #tpu.memory_space<vmem>>)
      %dma_start3A_141 = arith.constant 0 : i32
      %dma_start3A_142 = tpu.memref_slice %arg7[%add3A_118, %dma_start3A_141] : memref<125x80xi32, #tpu.memory_space<vmem>> -> memref<1x80xi32, #tpu.memory_space<vmem>>
      %dma_start3A_143 = tpu.memref_squeeze %dma_start3A_142 : memref<1x80xi32, #tpu.memory_space<vmem>> -> memref<80xi32, #tpu.memory_space<vmem>>
      %dma_start3A_144 = arith.constant 0 : i32
      %dma_start3A_145 = arith.constant 0 : i32
      %dma_start3A_146 = tpu.memref_slice %arg14[%dma_start3A_144, %dma_start3A_145] : memref<10240x128xf32, #tpu.memory_space<vmem_shared>> -> memref<10240x128xf32, #tpu.memory_space<vmem_shared>>
      tpu.enqueue_indirect_dma source(%arg12 : memref<80x128xf32, #tpu.memory_space<vmem>>) target(%dma_start3A_146 : memref<10240x128xf32, #tpu.memory_space<vmem_shared>>) offsets(%dma_start3A_143 : memref<80xi32, #tpu.memory_space<vmem>>) semaphore(%arg22 : memref<!tpu.dma_semaphore, #tpu.memory_space<semaphore_mem>>) {add = true}
      %mul3A_147 = arith.constant 3 : i32
      %mul3A_148 = arith.muli %add3A_86, %mul3A_147 : i32
      %add3A_149 = arith.constant 2 : i32
      %add3A_150 = arith.addi %mul3A_148, %add3A_149 : i32
      %add3A_151 = arith.constant 2 : i32
      %add3A_152 = arith.addi %add3A_150, %add3A_151 : i32
      %le3A_153 = arith.constant 124 : i32
      %le3A_154 = arith.cmpi sle, %add3A_152, %le3A_153 : i32
      %convert_element_type3A_155 = arith.extui %le3A_154 : i1 to i32
      %cond3A_156 = arith.constant 0 : i32
      %cond3A_157 = arith.cmpi ne, %convert_element_type3A_155, %cond3A_156 : i32
      scf.if %cond3A_157 {
        %add3A_179 = arith.constant 2 : i32
        %add3A_180 = arith.addi %add3A_150, %add3A_179 : i32
        %mul3A_181 = arith.constant 80 : i32
        %mul3A_182 = arith.muli %add3A_180, %mul3A_181 : i32
        %add3A_183 = arith.addi %mul3A_2, %mul3A_182 : i32
        %dma_start3A_184 = tpu.memref_slice %arg3[%add3A_183] : memref<320000xi32, #tpu.memory_space<hbm>> -> memref<80xi32, #tpu.memory_space<hbm>>
        %dma_start3A_185 = tpu.memref_slice %arg3[%add3A_183] : memref<320000xi32, #tpu.memory_space<hbm>> -> memref<80xi32, #tpu.memory_space<hbm>>
        tpu.enqueue_dma source(%dma_start3A_185 : memref<80xi32, #tpu.memory_space<hbm>>) target(%arg9 : memref<80xi32, #tpu.memory_space<vmem>>) target_semaphore(%arg16 : memref<!tpu.dma_semaphore, #tpu.memory_space<semaphore_mem>>)
      } else {
      }
      %ge3A_158 = arith.constant 2 : i32
      %ge3A_159 = arith.cmpi sge, %add3A_150, %ge3A_158 : i32
      %convert_element_type3A_160 = arith.extui %ge3A_159 : i1 to i32
      %cond3A_161 = arith.constant 0 : i32
      %cond3A_162 = arith.cmpi ne, %convert_element_type3A_160, %cond3A_161 : i32
      scf.if %cond3A_162 {
        %sub3A = arith.constant 2 : i32
        %sub3A_179 = arith.subi %add3A_150, %sub3A : i32
        %dma_wait3A_180 = arith.constant 0 : i32
        %dma_wait3A_181 = tpu.memref_slice %arg7[%sub3A_179, %dma_wait3A_180] : memref<125x80xi32, #tpu.memory_space<vmem>> -> memref<1x80xi32, #tpu.memory_space<vmem>>
        %dma_wait3A_182 = tpu.memref_squeeze %dma_wait3A_181 : memref<1x80xi32, #tpu.memory_space<vmem>> -> memref<80xi32, #tpu.memory_space<vmem>>
        %dma_wait3A_183 = arith.constant 0 : i32
        %dma_wait3A_184 = arith.constant 0 : i32
        %dma_wait3A_185 = tpu.memref_slice %arg14[%dma_wait3A_183, %dma_wait3A_184] : memref<10240x128xf32, #tpu.memory_space<vmem_shared>> -> memref<10240x128xf32, #tpu.memory_space<vmem_shared>>
        tpu.wait_indirect_dma semaphore(%arg21 : memref<!tpu.dma_semaphore, #tpu.memory_space<semaphore_mem>>) src(%arg11 : memref<80x128xf32, #tpu.memory_space<vmem>>) dst(%dma_wait3A_185 : memref<10240x128xf32, #tpu.memory_space<vmem_shared>>)
      } else {
      }
      %add3A_163 = arith.constant 1 : i32
      %add3A_164 = arith.addi %add3A_150, %add3A_163 : i32
      %le3A_165 = arith.constant 124 : i32
      %le3A_166 = arith.cmpi sle, %add3A_164, %le3A_165 : i32
      %convert_element_type3A_167 = arith.extui %le3A_166 : i1 to i32
      %cond3A_168 = arith.constant 0 : i32
      %cond3A_169 = arith.cmpi ne, %convert_element_type3A_167, %cond3A_168 : i32
      scf.if %cond3A_169 {
        %add3A_179 = arith.constant 1 : i32
        %add3A_180 = arith.addi %add3A_150, %add3A_179 : i32
        %mul3A_181 = arith.constant 80 : i32
        %mul3A_182 = arith.muli %add3A_180, %mul3A_181 : i32
        %add3A_183 = arith.addi %mul3A_2, %mul3A_182 : i32
        %dma_wait3A_184 = tpu.memref_slice %arg3[%add3A_183] : memref<320000xi32, #tpu.memory_space<hbm>> -> memref<80xi32, #tpu.memory_space<hbm>>
        %dma_wait3A_185 = tpu.memref_slice %arg3[%add3A_183] : memref<320000xi32, #tpu.memory_space<hbm>> -> memref<80xi32, #tpu.memory_space<hbm>>
        tpu.wait_dma2 semaphore(%arg15 : memref<!tpu.dma_semaphore, #tpu.memory_space<semaphore_mem>>) src(%dma_wait3A_185 : memref<80xi32, #tpu.memory_space<hbm>>) dst(%arg8 : memref<80xi32, #tpu.memory_space<vmem>>)
        %dma_start3A_186 = arith.constant 0 : i32
        %dma_start3A_187 = arith.constant 0 : i32
        %dma_start3A_188 = tpu.memref_slice %arg2[%dma_start3A_186, %dma_start3A_187] : memref<10000x128xf32, #tpu.memory_space<hbm>> -> memref<10000x128xf32, #tpu.memory_space<hbm>>
        tpu.enqueue_indirect_dma source(%dma_start3A_188 : memref<10000x128xf32, #tpu.memory_space<hbm>>) target(%arg11 : memref<80x128xf32, #tpu.memory_space<vmem>>) offsets(%arg8 : memref<80xi32, #tpu.memory_space<vmem>>) semaphore(%arg18 : memref<!tpu.dma_semaphore, #tpu.memory_space<semaphore_mem>>)
      } else {
      }
      %dma_wait3A_170 = arith.constant 0 : i32
      %dma_wait3A_171 = arith.constant 0 : i32
      %dma_wait3A_172 = tpu.memref_slice %arg2[%dma_wait3A_170, %dma_wait3A_171] : memref<10000x128xf32, #tpu.memory_space<hbm>> -> memref<10000x128xf32, #tpu.memory_space<hbm>>
      tpu.wait_indirect_dma semaphore(%arg20 : memref<!tpu.dma_semaphore, #tpu.memory_space<semaphore_mem>>) src(%dma_wait3A_172 : memref<10000x128xf32, #tpu.memory_space<hbm>>) dst(%arg13 : memref<80x128xf32, #tpu.memory_space<vmem>>)
      %dma_start3A_173 = arith.constant 0 : i32
      %dma_start3A_174 = tpu.memref_slice %arg7[%add3A_150, %dma_start3A_173] : memref<125x80xi32, #tpu.memory_space<vmem>> -> memref<1x80xi32, #tpu.memory_space<vmem>>
      %dma_start3A_175 = tpu.memref_squeeze %dma_start3A_174 : memref<1x80xi32, #tpu.memory_space<vmem>> -> memref<80xi32, #tpu.memory_space<vmem>>
      %dma_start3A_176 = arith.constant 0 : i32
      %dma_start3A_177 = arith.constant 0 : i32
      %dma_start3A_178 = tpu.memref_slice %arg14[%dma_start3A_176, %dma_start3A_177] : memref<10240x128xf32, #tpu.memory_space<vmem_shared>> -> memref<10240x128xf32, #tpu.memory_space<vmem_shared>>
      tpu.enqueue_indirect_dma source(%arg13 : memref<80x128xf32, #tpu.memory_space<vmem>>) target(%dma_start3A_178 : memref<10240x128xf32, #tpu.memory_space<vmem_shared>>) offsets(%dma_start3A_175 : memref<80xi32, #tpu.memory_space<vmem>>) semaphore(%arg23 : memref<!tpu.dma_semaphore, #tpu.memory_space<semaphore_mem>>) {add = true}
    }
    %scan3A_21 = arith.constant 41 : i32
    %dma_wait3A_22 = arith.constant 121 : i32
    %dma_wait3A_23 = arith.constant 0 : i32
    %dma_wait3A_24 = tpu.memref_slice %arg7[%dma_wait3A_22, %dma_wait3A_23] : memref<125x80xi32, #tpu.memory_space<vmem>> -> memref<1x80xi32, #tpu.memory_space<vmem>>
    %dma_wait3A_25 = tpu.memref_squeeze %dma_wait3A_24 : memref<1x80xi32, #tpu.memory_space<vmem>> -> memref<80xi32, #tpu.memory_space<vmem>>
    %dma_wait3A_26 = arith.constant 0 : i32
    %dma_wait3A_27 = arith.constant 0 : i32
    %dma_wait3A_28 = tpu.memref_slice %arg14[%dma_wait3A_26, %dma_wait3A_27] : memref<10240x128xf32, #tpu.memory_space<vmem_shared>> -> memref<10240x128xf32, #tpu.memory_space<vmem_shared>>
    tpu.wait_indirect_dma semaphore(%arg22 : memref<!tpu.dma_semaphore, #tpu.memory_space<semaphore_mem>>) src(%arg12 : memref<80x128xf32, #tpu.memory_space<vmem>>) dst(%dma_wait3A_28 : memref<10240x128xf32, #tpu.memory_space<vmem_shared>>)
    %add3A_29 = arith.constant 9920 : i32
    %add3A_30 = arith.addi %mul3A_2, %add3A_29 : i32
    %dma_wait3A_31 = tpu.memref_slice %arg3[%add3A_30] : memref<320000xi32, #tpu.memory_space<hbm>> -> memref<80xi32, #tpu.memory_space<hbm>>
    %dma_wait3A_32 = tpu.memref_slice %arg3[%add3A_30] : memref<320000xi32, #tpu.memory_space<hbm>> -> memref<80xi32, #tpu.memory_space<hbm>>
    tpu.wait_dma2 semaphore(%arg16 : memref<!tpu.dma_semaphore, #tpu.memory_space<semaphore_mem>>) src(%dma_wait3A_32 : memref<80xi32, #tpu.memory_space<hbm>>) dst(%arg9 : memref<80xi32, #tpu.memory_space<vmem>>)
    %dma_start3A_33 = arith.constant 0 : i32
    %dma_start3A_34 = arith.constant 0 : i32
    %dma_start3A_35 = tpu.memref_slice %arg2[%dma_start3A_33, %dma_start3A_34] : memref<10000x128xf32, #tpu.memory_space<hbm>> -> memref<10000x128xf32, #tpu.memory_space<hbm>>
    tpu.enqueue_indirect_dma source(%dma_start3A_35 : memref<10000x128xf32, #tpu.memory_space<hbm>>) target(%arg12 : memref<80x128xf32, #tpu.memory_space<vmem>>) offsets(%arg9 : memref<80xi32, #tpu.memory_space<vmem>>) semaphore(%arg19 : memref<!tpu.dma_semaphore, #tpu.memory_space<semaphore_mem>>)
    %dma_wait3A_36 = arith.constant 0 : i32
    %dma_wait3A_37 = arith.constant 0 : i32
    %dma_wait3A_38 = tpu.memref_slice %arg2[%dma_wait3A_36, %dma_wait3A_37] : memref<10000x128xf32, #tpu.memory_space<hbm>> -> memref<10000x128xf32, #tpu.memory_space<hbm>>
    tpu.wait_indirect_dma semaphore(%arg18 : memref<!tpu.dma_semaphore, #tpu.memory_space<semaphore_mem>>) src(%dma_wait3A_38 : memref<10000x128xf32, #tpu.memory_space<hbm>>) dst(%arg11 : memref<80x128xf32, #tpu.memory_space<vmem>>)
    %dma_start3A_39 = arith.constant 123 : i32
    %dma_start3A_40 = arith.constant 0 : i32
    %dma_start3A_41 = tpu.memref_slice %arg7[%dma_start3A_39, %dma_start3A_40] : memref<125x80xi32, #tpu.memory_space<vmem>> -> memref<1x80xi32, #tpu.memory_space<vmem>>
    %dma_start3A_42 = tpu.memref_squeeze %dma_start3A_41 : memref<1x80xi32, #tpu.memory_space<vmem>> -> memref<80xi32, #tpu.memory_space<vmem>>
    %dma_start3A_43 = arith.constant 0 : i32
    %dma_start3A_44 = arith.constant 0 : i32
    %dma_start3A_45 = tpu.memref_slice %arg14[%dma_start3A_43, %dma_start3A_44] : memref<10240x128xf32, #tpu.memory_space<vmem_shared>> -> memref<10240x128xf32, #tpu.memory_space<vmem_shared>>
    tpu.enqueue_indirect_dma source(%arg11 : memref<80x128xf32, #tpu.memory_space<vmem>>) target(%dma_start3A_45 : memref<10240x128xf32, #tpu.memory_space<vmem_shared>>) offsets(%dma_start3A_42 : memref<80xi32, #tpu.memory_space<vmem>>) semaphore(%arg21 : memref<!tpu.dma_semaphore, #tpu.memory_space<semaphore_mem>>) {add = true}
    %dma_wait3A_46 = arith.constant 122 : i32
    %dma_wait3A_47 = arith.constant 0 : i32
    %dma_wait3A_48 = tpu.memref_slice %arg7[%dma_wait3A_46, %dma_wait3A_47] : memref<125x80xi32, #tpu.memory_space<vmem>> -> memref<1x80xi32, #tpu.memory_space<vmem>>
    %dma_wait3A_49 = tpu.memref_squeeze %dma_wait3A_48 : memref<1x80xi32, #tpu.memory_space<vmem>> -> memref<80xi32, #tpu.memory_space<vmem>>
    %dma_wait3A_50 = arith.constant 0 : i32
    %dma_wait3A_51 = arith.constant 0 : i32
    %dma_wait3A_52 = tpu.memref_slice %arg14[%dma_wait3A_50, %dma_wait3A_51] : memref<10240x128xf32, #tpu.memory_space<vmem_shared>> -> memref<10240x128xf32, #tpu.memory_space<vmem_shared>>
    tpu.wait_indirect_dma semaphore(%arg23 : memref<!tpu.dma_semaphore, #tpu.memory_space<semaphore_mem>>) src(%arg13 : memref<80x128xf32, #tpu.memory_space<vmem>>) dst(%dma_wait3A_52 : memref<10240x128xf32, #tpu.memory_space<vmem_shared>>)
    %dma_wait3A_53 = arith.constant 0 : i32
    %dma_wait3A_54 = arith.constant 0 : i32
    %dma_wait3A_55 = tpu.memref_slice %arg2[%dma_wait3A_53, %dma_wait3A_54] : memref<10000x128xf32, #tpu.memory_space<hbm>> -> memref<10000x128xf32, #tpu.memory_space<hbm>>
    tpu.wait_indirect_dma semaphore(%arg19 : memref<!tpu.dma_semaphore, #tpu.memory_space<semaphore_mem>>) src(%dma_wait3A_55 : memref<10000x128xf32, #tpu.memory_space<hbm>>) dst(%arg12 : memref<80x128xf32, #tpu.memory_space<vmem>>)
    %dma_start3A_56 = arith.constant 124 : i32
    %dma_start3A_57 = arith.constant 0 : i32
    %dma_start3A_58 = tpu.memref_slice %arg7[%dma_start3A_56, %dma_start3A_57] : memref<125x80xi32, #tpu.memory_space<vmem>> -> memref<1x80xi32, #tpu.memory_space<vmem>>
    %dma_start3A_59 = tpu.memref_squeeze %dma_start3A_58 : memref<1x80xi32, #tpu.memory_space<vmem>> -> memref<80xi32, #tpu.memory_space<vmem>>
    %dma_start3A_60 = arith.constant 0 : i32
    %dma_start3A_61 = arith.constant 0 : i32
    %dma_start3A_62 = tpu.memref_slice %arg14[%dma_start3A_60, %dma_start3A_61] : memref<10240x128xf32, #tpu.memory_space<vmem_shared>> -> memref<10240x128xf32, #tpu.memory_space<vmem_shared>>
    tpu.enqueue_indirect_dma source(%arg12 : memref<80x128xf32, #tpu.memory_space<vmem>>) target(%dma_start3A_62 : memref<10240x128xf32, #tpu.memory_space<vmem_shared>>) offsets(%dma_start3A_59 : memref<80xi32, #tpu.memory_space<vmem>>) semaphore(%arg22 : memref<!tpu.dma_semaphore, #tpu.memory_space<semaphore_mem>>) {add = true}
    %dma_wait3A_63 = arith.constant 123 : i32
    %dma_wait3A_64 = arith.constant 0 : i32
    %dma_wait3A_65 = tpu.memref_slice %arg7[%dma_wait3A_63, %dma_wait3A_64] : memref<125x80xi32, #tpu.memory_space<vmem>> -> memref<1x80xi32, #tpu.memory_space<vmem>>
    %dma_wait3A_66 = tpu.memref_squeeze %dma_wait3A_65 : memref<1x80xi32, #tpu.memory_space<vmem>> -> memref<80xi32, #tpu.memory_space<vmem>>
    %dma_wait3A_67 = arith.constant 0 : i32
    %dma_wait3A_68 = arith.constant 0 : i32
    %dma_wait3A_69 = tpu.memref_slice %arg14[%dma_wait3A_67, %dma_wait3A_68] : memref<10240x128xf32, #tpu.memory_space<vmem_shared>> -> memref<10240x128xf32, #tpu.memory_space<vmem_shared>>
    tpu.wait_indirect_dma semaphore(%arg21 : memref<!tpu.dma_semaphore, #tpu.memory_space<semaphore_mem>>) src(%arg11 : memref<80x128xf32, #tpu.memory_space<vmem>>) dst(%dma_wait3A_69 : memref<10240x128xf32, #tpu.memory_space<vmem_shared>>)
    %dma_wait3A_70 = arith.constant 124 : i32
    %dma_wait3A_71 = arith.constant 0 : i32
    %dma_wait3A_72 = tpu.memref_slice %arg7[%dma_wait3A_70, %dma_wait3A_71] : memref<125x80xi32, #tpu.memory_space<vmem>> -> memref<1x80xi32, #tpu.memory_space<vmem>>
    %dma_wait3A_73 = tpu.memref_squeeze %dma_wait3A_72 : memref<1x80xi32, #tpu.memory_space<vmem>> -> memref<80xi32, #tpu.memory_space<vmem>>
    %dma_wait3A_74 = arith.constant 0 : i32
    %dma_wait3A_75 = arith.constant 0 : i32
    %dma_wait3A_76 = tpu.memref_slice %arg14[%dma_wait3A_74, %dma_wait3A_75] : memref<10240x128xf32, #tpu.memory_space<vmem_shared>> -> memref<10240x128xf32, #tpu.memory_space<vmem_shared>>
    tpu.wait_indirect_dma semaphore(%arg22 : memref<!tpu.dma_semaphore, #tpu.memory_space<semaphore_mem>>) src(%arg12 : memref<80x128xf32, #tpu.memory_space<vmem>>) dst(%dma_wait3A_76 : memref<10240x128xf32, #tpu.memory_space<vmem_shared>>)
    %barrier3A_77 = arith.constant 0 : index
    tpu.barrier barrier_id(%barrier3A_77)
    %mul3A_78 = arith.constant 640 : i32
    %mul3A_79 = arith.muli %arg1, %mul3A_78 : i32
    %mul3A_80 = arith.constant 640 : i32
    %mul3A_81 = arith.muli %arg1, %mul3A_80 : i32
    "tpu.region"() ({
      %run_scoped3A = tpu.sem_alloc : memref<!tpu.dma_semaphore, #tpu.memory_space<semaphore_mem>>
      %dma_start3A_82 = arith.constant 0 : i32
      %dma_start3A_83 = tpu.memref_slice %arg6[%arg0, %mul3A_81, %dma_start3A_82] : memref<2x10240x128xf32, #tpu.memory_space<hbm>> -> memref<1x640x128xf32, #tpu.memory_space<hbm>>
      %dma_start3A_84 = tpu.memref_squeeze %dma_start3A_83 : memref<1x640x128xf32, #tpu.memory_space<hbm>> -> memref<640x128xf32, #tpu.memory_space<hbm>>
      %dma_start3A_85 = arith.constant 0 : i32
      %dma_start3A_86 = tpu.memref_slice %arg14[%mul3A_79, %dma_start3A_85] : memref<10240x128xf32, #tpu.memory_space<vmem_shared>> -> memref<640x128xf32, #tpu.memory_space<vmem_shared>>
      tpu.enqueue_dma source(%dma_start3A_86 : memref<640x128xf32, #tpu.memory_space<vmem_shared>>) target(%dma_start3A_84 : memref<640x128xf32, #tpu.memory_space<hbm>>) target_semaphore(%run_scoped3A : memref<!tpu.dma_semaphore, #tpu.memory_space<semaphore_mem>>)
      %dma_wait3A_87 = arith.constant 0 : i32
      %dma_wait3A_88 = tpu.memref_slice %arg6[%arg0, %mul3A_81, %dma_wait3A_87] : memref<2x10240x128xf32, #tpu.memory_space<hbm>> -> memref<1x640x128xf32, #tpu.memory_space<hbm>>
      %dma_wait3A_89 = tpu.memref_squeeze %dma_wait3A_88 : memref<1x640x128xf32, #tpu.memory_space<hbm>> -> memref<640x128xf32, #tpu.memory_space<hbm>>
      %dma_wait3A_90 = arith.constant 0 : i32
      %dma_wait3A_91 = tpu.memref_slice %arg14[%mul3A_79, %dma_wait3A_90] : memref<10240x128xf32, #tpu.memory_space<vmem_shared>> -> memref<640x128xf32, #tpu.memory_space<vmem_shared>>
      tpu.wait_dma2 semaphore(%run_scoped3A : memref<!tpu.dma_semaphore, #tpu.memory_space<semaphore_mem>>) src(%dma_wait3A_91 : memref<640x128xf32, #tpu.memory_space<vmem_shared>>) dst(%dma_wait3A_89 : memref<640x128xf32, #tpu.memory_space<hbm>>)
      tpu.yield
    }) : () -> ()
    return
  }
}

module attributes {stable_mosaic.version = 14 : i64} {
  func.func @body(%arg0: memref<10000x128xf32, #tpu.memory_space<vmem>>, %arg1: memref<128x128xf32, #tpu.memory_space<vmem>>, %arg2: memref<1x128xf32, #tpu.memory_space<vmem>>, %arg3: memref<128x128xf32, #tpu.memory_space<vmem>>, %arg4: memref<10000x128xf32, #tpu.memory_space<vmem>>) attributes {dimension_semantics = [], scalar_prefetch = 0 : i64, scratch_operands = 0 : i64, tpu.core_type = #tpu.core_type<tc>} {
    %get3A = arith.constant 0 : index
    %get3A_0 = arith.constant 0 : index
    %get3A_1 = vector.load %arg0[%get3A, %get3A_0] : memref<10000x128xf32, #tpu.memory_space<vmem>>, vector<10000x128xf32>
    %get3A_2 = arith.constant 0 : index
    %get3A_3 = arith.constant 0 : index
    %get3A_4 = vector.load %arg1[%get3A_2, %get3A_3] : memref<128x128xf32, #tpu.memory_space<vmem>>, vector<128x128xf32>
    %dot_general3A = arith.constant dense<0.000000e+00> : vector<10000x128xf32>
    %dot_general3A_5 = tpu.matmul %get3A_1, %get3A_4, %dot_general3A {dimension_numbers = #tpu.dot_dimension_numbers<[1], [0], [0], [1], [0, 0, 1, 1], [], []>, transpose_lhs_hint = false} : vector<10000x128xf32>, vector<128x128xf32>, vector<10000x128xf32> -> vector<10000x128xf32>
    %get3A_6 = arith.constant 0 : index
    %get3A_7 = arith.constant 0 : index
    %get3A_8 = vector.load %arg2[%get3A_6, %get3A_7] : memref<1x128xf32, #tpu.memory_space<vmem>>, vector<1x128xf32>
    %add3A = vector.broadcast %get3A_8 : vector<1x128xf32> to vector<10000x128xf32>
    %add3A_9 = arith.addf %dot_general3A_5, %add3A : vector<10000x128xf32>
    %max3A = arith.constant 0.000000e+00 : f32
    %max3A_10 = vector.broadcast %max3A : f32 to vector<10000x128xf32>
    %max3A_11 = arith.maximumf %add3A_9, %max3A_10 : vector<10000x128xf32>
    %get3A_12 = arith.constant 0 : index
    %get3A_13 = arith.constant 0 : index
    %get3A_14 = vector.load %arg3[%get3A_12, %get3A_13] : memref<128x128xf32, #tpu.memory_space<vmem>>, vector<128x128xf32>
    %dot_general3A_15 = arith.constant dense<0.000000e+00> : vector<10000x128xf32>
    %dot_general3A_16 = tpu.matmul %max3A_11, %get3A_14, %dot_general3A_15 {dimension_numbers = #tpu.dot_dimension_numbers<[1], [0], [0], [1], [0, 0, 1, 1], [], []>, transpose_lhs_hint = false} : vector<10000x128xf32>, vector<128x128xf32>, vector<10000x128xf32> -> vector<10000x128xf32>
    %swap3A = arith.constant 0 : index
    %swap3A_17 = arith.constant 0 : index
    %swap3A_18 = vector.load %arg4[%swap3A, %swap3A_17] : memref<10000x128xf32, #tpu.memory_space<vmem>>, vector<10000x128xf32>
    tpu.vector_store %arg4[%swap3A, %swap3A_17], %dot_general3A_16 {strides = array<i32>} : memref<10000x128xf32, #tpu.memory_space<vmem>>, vector<10000x128xf32>,
    return
  }
}

module attributes {stable_mosaic.version = 14 : i64} {
  func.func @body(%arg0: memref<10000x128xf32, #tpu.memory_space<vmem>>, %arg1: memref<2x10240x128xf32, #tpu.memory_space<vmem>>, %arg2: memref<10000x128xf32, #tpu.memory_space<vmem>>) attributes {dimension_semantics = [], scalar_prefetch = 0 : i64, scratch_operands = 0 : i64, tpu.core_type = #tpu.core_type<tc>} {
    %get3A = arith.constant 0 : index
    %get3A_0 = arith.constant 0 : index
    %get3A_1 = vector.load %arg0[%get3A, %get3A_0] : memref<10000x128xf32, #tpu.memory_space<vmem>>, vector<10000x128xf32>
    %get3A_2 = arith.constant 0 : index
    %get3A_3 = arith.constant 0 : index
    %get3A_4 = arith.constant 0 : index
    %get3A_5 = vector.load %arg1[%get3A_2, %get3A_3, %get3A_4] : memref<2x10240x128xf32, #tpu.memory_space<vmem>>, vector<1x10000x1xf32>
    %get3A_6 = vector.shape_cast %get3A_5 : vector<1x10000x1xf32> to vector<10000x1xf32>
    %add3A = arith.constant 1.000000e+00 : f32
    %add3A_7 = vector.broadcast %add3A : f32 to vector<10000x1xf32>
    %add3A_8 = arith.addf %add3A_7, %get3A_6 : vector<10000x1xf32>
    %get3A_9 = arith.constant 1 : index
    %get3A_10 = arith.constant 0 : index
    %get3A_11 = arith.constant 0 : index
    %get3A_12 = vector.load %arg1[%get3A_9, %get3A_10, %get3A_11] : memref<2x10240x128xf32, #tpu.memory_space<vmem>>, vector<1x10000x1xf32>
    %get3A_13 = vector.shape_cast %get3A_12 : vector<1x10000x1xf32> to vector<10000x1xf32>
    %add3A_14 = arith.addf %add3A_8, %get3A_13 : vector<10000x1xf32>
    %rsqrt3A = math.rsqrt %add3A_14 : vector<10000x1xf32>
    %mul3A = vector.broadcast %rsqrt3A : vector<10000x1xf32> to vector<10000x128xf32>
    %mul3A_15 = arith.mulf %get3A_1, %mul3A : vector<10000x128xf32>
    %swap3A = arith.constant 0 : index
    %swap3A_16 = arith.constant 0 : index
    %swap3A_17 = vector.load %arg2[%swap3A, %swap3A_16] : memref<10000x128xf32, #tpu.memory_space<vmem>>, vector<10000x128xf32>
    tpu.vector_store %arg2[%swap3A, %swap3A_16], %mul3A_15 {strides = array<i32>} : memref<10000x128xf32, #tpu.memory_space<vmem>>, vector<10000x128xf32>,
    return
  }
}

module attributes {stable_mosaic.version = 14 : i64} {
  func.func @body(%arg0: memref<2x10240x128xf32, #tpu.memory_space<vmem>>, %arg1: memref<10000x128xf32, #tpu.memory_space<vmem>>, %arg2: memref<2x10240x128xf32, #tpu.memory_space<vmem>>, %arg3: memref<1x128xf32, #tpu.memory_space<vmem>>, %arg4: memref<128x128xf32, #tpu.memory_space<vmem>>, %arg5: memref<10000x128xf32, #tpu.memory_space<vmem>>) attributes {dimension_semantics = [], scalar_prefetch = 0 : i64, scratch_operands = 0 : i64, tpu.core_type = #tpu.core_type<tc>} {
    %get3A = arith.constant 0 : index
    %get3A_0 = arith.constant 0 : index
    %get3A_1 = arith.constant 0 : index
    %get3A_2 = vector.load %arg2[%get3A, %get3A_0, %get3A_1] : memref<2x10240x128xf32, #tpu.memory_space<vmem>>, vector<1x10000x1xf32>
    %get3A_3 = vector.shape_cast %get3A_2 : vector<1x10000x1xf32> to vector<10000x1xf32>
    %add3A = arith.constant 1.000000e+00 : f32
    %add3A_4 = vector.broadcast %add3A : f32 to vector<10000x1xf32>
    %add3A_5 = arith.addf %add3A_4, %get3A_3 : vector<10000x1xf32>
    %get3A_6 = arith.constant 1 : index
    %get3A_7 = arith.constant 0 : index
    %get3A_8 = arith.constant 0 : index
    %get3A_9 = vector.load %arg2[%get3A_6, %get3A_7, %get3A_8] : memref<2x10240x128xf32, #tpu.memory_space<vmem>>, vector<1x10000x1xf32>
    %get3A_10 = vector.shape_cast %get3A_9 : vector<1x10000x1xf32> to vector<10000x1xf32>
    %add3A_11 = arith.addf %add3A_5, %get3A_10 : vector<10000x1xf32>
    %rsqrt3A = math.rsqrt %add3A_11 : vector<10000x1xf32>
    %get3A_12 = arith.constant 0 : index
    %get3A_13 = arith.constant 0 : index
    %get3A_14 = arith.constant 0 : index
    %get3A_15 = vector.load %arg0[%get3A_12, %get3A_13, %get3A_14] : memref<2x10240x128xf32, #tpu.memory_space<vmem>>, vector<1x10000x128xf32>
    %get3A_16 = vector.shape_cast %get3A_15 : vector<1x10000x128xf32> to vector<10000x128xf32>
    %get3A_17 = arith.constant 1 : index
    %get3A_18 = arith.constant 0 : index
    %get3A_19 = arith.constant 0 : index
    %get3A_20 = vector.load %arg0[%get3A_17, %get3A_18, %get3A_19] : memref<2x10240x128xf32, #tpu.memory_space<vmem>>, vector<1x10000x128xf32>
    %get3A_21 = vector.shape_cast %get3A_20 : vector<1x10000x128xf32> to vector<10000x128xf32>
    %add3A_22 = arith.addf %get3A_16, %get3A_21 : vector<10000x128xf32>
    %get3A_23 = arith.constant 0 : index
    %get3A_24 = arith.constant 0 : index
    %get3A_25 = vector.load %arg1[%get3A_23, %get3A_24] : memref<10000x128xf32, #tpu.memory_space<vmem>>, vector<10000x128xf32>
    %add3A_26 = arith.addf %add3A_22, %get3A_25 : vector<10000x128xf32>
    %mul3A = vector.broadcast %rsqrt3A : vector<10000x1xf32> to vector<10000x128xf32>
    %mul3A_27 = arith.mulf %add3A_26, %mul3A : vector<10000x128xf32>
    %get3A_28 = arith.constant 0 : index
    %get3A_29 = arith.constant 0 : index
    %get3A_30 = vector.load %arg3[%get3A_28, %get3A_29] : memref<1x128xf32, #tpu.memory_space<vmem>>, vector<1x128xf32>
    %add3A_31 = vector.broadcast %get3A_30 : vector<1x128xf32> to vector<10000x128xf32>
    %add3A_32 = arith.addf %mul3A_27, %add3A_31 : vector<10000x128xf32>
    %max3A = arith.constant 0.000000e+00 : f32
    %max3A_33 = vector.broadcast %max3A : f32 to vector<10000x128xf32>
    %max3A_34 = arith.maximumf %add3A_32, %max3A_33 : vector<10000x128xf32>
    %get3A_35 = arith.constant 0 : index
    %get3A_36 = arith.constant 0 : index
    %get3A_37 = vector.load %arg4[%get3A_35, %get3A_36] : memref<128x128xf32, #tpu.memory_space<vmem>>, vector<128x128xf32>
    %dot_general3A = arith.constant dense<0.000000e+00> : vector<10000x128xf32>
    %dot_general3A_38 = tpu.matmul %max3A_34, %get3A_37, %dot_general3A {dimension_numbers = #tpu.dot_dimension_numbers<[1], [0], [0], [1], [0, 0, 1, 1], [], []>, transpose_lhs_hint = false} : vector<10000x128xf32>, vector<128x128xf32>, vector<10000x128xf32> -> vector<10000x128xf32>
    %mul3A_39 = vector.broadcast %rsqrt3A : vector<10000x1xf32> to vector<10000x128xf32>
    %mul3A_40 = arith.mulf %dot_general3A_38, %mul3A_39 : vector<10000x128xf32>
    %swap3A = arith.constant 0 : index
    %swap3A_41 = arith.constant 0 : index
    %swap3A_42 = vector.load %arg5[%swap3A, %swap3A_41] : memref<10000x128xf32, #tpu.memory_space<vmem>>, vector<10000x128xf32>
    tpu.vector_store %arg5[%swap3A, %swap3A_41], %mul3A_40 {strides = array<i32>} : memref<10000x128xf32, #tpu.memory_space<vmem>>, vector<10000x128xf32>,
    return
  }
}

module attributes {stable_mosaic.version = 14 : i64} {
  func.func @body(%arg0: memref<2x10240x128xf32, #tpu.memory_space<vmem>>, %arg1: memref<10000x128xf32, #tpu.memory_space<vmem>>, %arg2: memref<2x10240x128xf32, #tpu.memory_space<vmem>>, %arg3: memref<1x128xf32, #tpu.memory_space<vmem>>, %arg4: memref<1x10000xi32, #tpu.memory_space<vmem>>, %arg5: memref<128x128xf32, #tpu.memory_space<vmem>>, %arg6: memref<1x128xf32, #tpu.memory_space<vmem>>, %arg7: memref<64x128xf32, #tpu.memory_space<vmem>>) attributes {dimension_semantics = [], scalar_prefetch = 0 : i64, scratch_operands = 0 : i64, tpu.core_type = #tpu.core_type<tc>} {
    %get3A = arith.constant 0 : index
    %get3A_0 = arith.constant 0 : index
    %get3A_1 = arith.constant 0 : index
    %get3A_2 = vector.load %arg2[%get3A, %get3A_0, %get3A_1] : memref<2x10240x128xf32, #tpu.memory_space<vmem>>, vector<1x10000x1xf32>
    %get3A_3 = vector.shape_cast %get3A_2 : vector<1x10000x1xf32> to vector<10000x1xf32>
    %add3A = arith.constant 1.000000e+00 : f32
    %add3A_4 = vector.broadcast %add3A : f32 to vector<10000x1xf32>
    %add3A_5 = arith.addf %add3A_4, %get3A_3 : vector<10000x1xf32>
    %get3A_6 = arith.constant 1 : index
    %get3A_7 = arith.constant 0 : index
    %get3A_8 = arith.constant 0 : index
    %get3A_9 = vector.load %arg2[%get3A_6, %get3A_7, %get3A_8] : memref<2x10240x128xf32, #tpu.memory_space<vmem>>, vector<1x10000x1xf32>
    %get3A_10 = vector.shape_cast %get3A_9 : vector<1x10000x1xf32> to vector<10000x1xf32>
    %add3A_11 = arith.addf %add3A_5, %get3A_10 : vector<10000x1xf32>
    %rsqrt3A = math.rsqrt %add3A_11 : vector<10000x1xf32>
    %get3A_12 = arith.constant 0 : index
    %get3A_13 = arith.constant 0 : index
    %get3A_14 = arith.constant 0 : index
    %get3A_15 = vector.load %arg0[%get3A_12, %get3A_13, %get3A_14] : memref<2x10240x128xf32, #tpu.memory_space<vmem>>, vector<1x10000x128xf32>
    %get3A_16 = vector.shape_cast %get3A_15 : vector<1x10000x128xf32> to vector<10000x128xf32>
    %get3A_17 = arith.constant 1 : index
    %get3A_18 = arith.constant 0 : index
    %get3A_19 = arith.constant 0 : index
    %get3A_20 = vector.load %arg0[%get3A_17, %get3A_18, %get3A_19] : memref<2x10240x128xf32, #tpu.memory_space<vmem>>, vector<1x10000x128xf32>
    %get3A_21 = vector.shape_cast %get3A_20 : vector<1x10000x128xf32> to vector<10000x128xf32>
    %add3A_22 = arith.addf %get3A_16, %get3A_21 : vector<10000x128xf32>
    %get3A_23 = arith.constant 0 : index
    %get3A_24 = arith.constant 0 : index
    %get3A_25 = vector.load %arg1[%get3A_23, %get3A_24] : memref<10000x128xf32, #tpu.memory_space<vmem>>, vector<10000x128xf32>
    %add3A_26 = arith.addf %add3A_22, %get3A_25 : vector<10000x128xf32>
    %mul3A = vector.broadcast %rsqrt3A : vector<10000x1xf32> to vector<10000x128xf32>
    %mul3A_27 = arith.mulf %add3A_26, %mul3A : vector<10000x128xf32>
    %get3A_28 = arith.constant 0 : index
    %get3A_29 = arith.constant 0 : index
    %get3A_30 = vector.load %arg3[%get3A_28, %get3A_29] : memref<1x128xf32, #tpu.memory_space<vmem>>, vector<1x128xf32>
    %add3A_31 = vector.broadcast %get3A_30 : vector<1x128xf32> to vector<10000x128xf32>
    %add3A_32 = arith.addf %mul3A_27, %add3A_31 : vector<10000x128xf32>
    %max3A = arith.constant 0.000000e+00 : f32
    %max3A_33 = vector.broadcast %max3A : f32 to vector<10000x128xf32>
    %max3A_34 = arith.maximumf %add3A_32, %max3A_33 : vector<10000x128xf32>
    %iota3A = tpu.iota {dimensions = array<i32: 0>} : vector<64x10000xi32>
    %get3A_35 = arith.constant 0 : index
    %get3A_36 = arith.constant 0 : index
    %get3A_37 = vector.load %arg4[%get3A_35, %get3A_36] : memref<1x10000xi32, #tpu.memory_space<vmem>>, vector<1x10000xi32>
    %eq3A = vector.broadcast %get3A_37 : vector<1x10000xi32> to vector<64x10000xi32>
    %eq3A_38 = arith.cmpi eq, %eq3A, %iota3A : vector<64x10000xi32>
    %jit3A = arith.constant 1.000000e+00 : f32
    %jit3A_39 = arith.constant 0.000000e+00 : f32
    %broadcast_in_dim3A = vector.broadcast %jit3A : f32 to vector<64x10000xf32>
    %broadcast_in_dim3A_40 = vector.broadcast %jit3A_39 : f32 to vector<64x10000xf32>
    %select_n3A = arith.select %eq3A_38, %broadcast_in_dim3A, %broadcast_in_dim3A_40 : vector<64x10000xi1>, vector<64x10000xf32>
    %dot_general3A = arith.constant dense<0.000000e+00> : vector<64x128xf32>
    %dot_general3A_41 = tpu.matmul %select_n3A, %max3A_34, %dot_general3A {dimension_numbers = #tpu.dot_dimension_numbers<[1], [0], [0], [1], [0, 0, 1, 1], [], []>, transpose_lhs_hint = false} : vector<64x10000xf32>, vector<10000x128xf32>, vector<64x128xf32> -> vector<64x128xf32>
    %broadcast_in_dim3A_42 = arith.constant 1.000000e+00 : f32
    %broadcast_in_dim3A_43 = vector.broadcast %broadcast_in_dim3A_42 : f32 to vector<10000x8xf32>
    %dot_general3A_44 = arith.constant dense<0.000000e+00> : vector<64x8xf32>
    %dot_general3A_45 = tpu.matmul %select_n3A, %broadcast_in_dim3A_43, %dot_general3A_44 {dimension_numbers = #tpu.dot_dimension_numbers<[1], [0], [0], [1], [0, 0, 1, 1], [], []>, transpose_lhs_hint = false} : vector<64x10000xf32>, vector<10000x8xf32>, vector<64x8xf32> -> vector<64x8xf32>
    %slice3A = vector.extract_strided_slice %dot_general3A_45 {offsets = [0, 0], sizes = [64, 1], strides = [1, 1]} : vector<64x8xf32> to vector<64x1xf32>
    %max3A_46 = arith.constant 1.000000e+00 : f32
    %max3A_47 = vector.broadcast %max3A_46 : f32 to vector<64x1xf32>
    %max3A_48 = arith.maximumf %slice3A, %max3A_47 : vector<64x1xf32>
    %div3A = vector.broadcast %max3A_48 : vector<64x1xf32> to vector<64x128xf32>
    %div3A_49 = arith.divf %dot_general3A_41, %div3A : vector<64x128xf32>
    %get3A_50 = arith.constant 0 : index
    %get3A_51 = arith.constant 0 : index
    %get3A_52 = vector.load %arg5[%get3A_50, %get3A_51] : memref<128x128xf32, #tpu.memory_space<vmem>>, vector<128x128xf32>
    %dot_general3A_53 = arith.constant dense<0.000000e+00> : vector<64x128xf32>
    %dot_general3A_54 = tpu.matmul %div3A_49, %get3A_52, %dot_general3A_53 {dimension_numbers = #tpu.dot_dimension_numbers<[1], [0], [0], [1], [0, 0, 1, 1], [], []>, transpose_lhs_hint = false} : vector<64x128xf32>, vector<128x128xf32>, vector<64x128xf32> -> vector<64x128xf32>
    %get3A_55 = arith.constant 0 : index
    %get3A_56 = arith.constant 0 : index
    %get3A_57 = vector.load %arg6[%get3A_55, %get3A_56] : memref<1x128xf32, #tpu.memory_space<vmem>>, vector<1x128xf32>
    %add3A_58 = vector.broadcast %get3A_57 : vector<1x128xf32> to vector<64x128xf32>
    %add3A_59 = arith.addf %dot_general3A_54, %add3A_58 : vector<64x128xf32>
    %swap3A = arith.constant 0 : index
    %swap3A_60 = arith.constant 0 : index
    %swap3A_61 = vector.load %arg7[%swap3A, %swap3A_60] : memref<64x128xf32, #tpu.memory_space<vmem>>, vector<64x128xf32>
    tpu.vector_store %arg7[%swap3A, %swap3A_60], %add3A_59 {strides = array<i32>} : memref<64x128xf32, #tpu.memory_space<vmem>>, vector<64x128xf32>,
    return
  }
}

</mosaic_0001>

<sc_bundles>
// kernel: kernel.12.cloned.1.call-start
scs
__scs_entry_jumppad:
0x0: {  	(pc) =	sbr.rel $0x88, $3  }
0x1: {  	(tag) =	ssettag $0x0;
	lr =	simm.s32 $0x1  }
0x2: {  	[smem:$0x3F96] =	sst lr;
	_ =	strace $0xD0000000  }
0x3: {  	_ = 	snop  }
0x4: {  	_ = 	snop  }
0x5: {  	_ = 	snop  }
0x6: {  	_ = 	snop  }
0x7: {  	_ = 	snop  }
__scs_overlays_trampoline_lowered:
0x8: {  	[smem:$0x3FA5] =	sst s0  }
0x9: {  	[smem:$0x3FA6] =	sst s1  }
0xa: {  	[smem:$0x3FA7] =	sst s2  }
0xb: {  	[smem:$0x3FA8] =	sst s3  }
0xc: {  	[smem:$0x3FA9] =	sst s4  }
0xd: {  	[smem:$0x3FAA] =	sst s5  }
0xe: {  	[smem:$0x3FAB] =	sst s6  }
0xf: {  	[smem:$0x3FAC] =	sst s7  }
0x10: {  	[smem:$0x3FAD] =	sst s8  }
0x11: {  	[smem:$0x3FAE] =	sst s9;
	s0 =	simm.s32 @!p0 $0x0  }
0x12: {  	s1 =	sld [smem:$0x3F94];
	s0 =	simm.s32 @p0 $0x1  }
0x13: {  	[smem:$0x3FAF] =	sst s0;
	s0 =	simm.s32 @!p1 $0x0  }
0x14: {  	s2 =	sld [smem:$0x3F93];
	s0 =	simm.s32 @p1 $0x1  }
0x15: {  	[smem:$0x3FB0] =	sst s0;
	s0 =	simm.s32 @!p2 $0x0  }
0x16: {  	s3 =	sld [smem:$0x3FDB];
	s0 =	simm.s32 @p2 $0x1  }
0x17: {  	s4 =	simm.s32 $0x1BF5;
	[smem:$0x3FB2] =	sst s0  }
0x18: {  	s0 =	sld [smem:$0x3F95];
	_ =	swait.ge [sflag:s4], $0x0  }
0x19: {  	s7 =	sld [smem:$0x3F96]  }
0x1a: {  	s8 =	sadd.s32 $0xFFFFE003, lr  }
0x1b: {  	s9 =	sadd.s32 $0xFFFFFEF7, lr;
	s5 =	simm.s32 $0xFFFFFFFF;
	p2 =	slt.u32 s8, $0xFFFFF086  }
0x1c: {  	p1 =	slt.u32 s9, $0xF7A;
	s5 =	simm.s32 @!p2 $0x0  }
0x1d: {  	s5 =	simm.s32 @p1 $0x1;
	p0 =	seq.s32 s7, s2  }
0x1e: {  	s7 =	smul.u32 @!p0 $0xF7A, s2;
	p2 =	seq.s32 @!p0 s5, $0x0  }
0x1f: {  	s9 =	smul.u32 $0xF7A, s1;
	s8 =	simm.s32 @!p0 $0x1BF5;
	p2 =	por !p2, p0  }
0x20: {  	[sflag:s8] =	ssyncset.s32 @!p0 $0xFFFFF086;
	s6 =	sadd.s32 @!p0 s3, s7;
	s7 =	simm.s32 @!p0 $0x108  }
0x21: {  	s3 =	sadd.s32 s3, s9;
	s6 =	sadd.s32 @!p0 $0x88, s6;
	s7 =	simm.s32 @p2 $0x1082  }
0x22: {  	[simem:s7], [sflag:s8] =	dma.local @!p0 [hbm:s6], $0xF7A  }
0x23: {  	s9 =	sor.u32 $0xD0000000, s2;
	s6 =	simm.s32 $0x108;
	_ =	swait.ge @!p0 [sflag:s8], $0x0  }
0x24: {  	s3 =	sadd.s32 $0x88, s3;
	s6 =	simm.s32 @!p1 $0x1082;
	[sflag:s4] =	ssyncset.s32 $0xFFFFF086  }
0x25: {  	[simem:s6], [sflag:s4] =	dma.local [hbm:s3], $0xF7A  }
0x26: {  	[smem:$0x3F96] =	sst s1;
	(tag) =	ssettag s2;
	_ =	strace s9  }
0x27: {  	s1 =	sld [smem:$0x3FA6]  }
0x28: {  	s2 =	sld [smem:$0x3FA7]  }
0x29: {  	s4 =	sld [smem:$0x3FA9]  }
0x2a: {  	p0 =	seq.s32 s5, $0x0;
	s5 =	sld [smem:$0x3FAA]  }
0x2b: {  	s6 =	sld [smem:$0x3FAB]  }
0x2c: {  	s7 =	sld [smem:$0x3FAC]  }
0x2d: {  	s3 =	simm.s32 $0x108;
	s8 =	sld [smem:$0x3FAD]  }
0x2e: {  	s3 =	simm.s32 @!p0 $0x1082;
	s9 =	sld [smem:$0x3FAE]  }
0x2f: {  	lr =	sadd.s32 s0, s3;
	s0 =	sld [smem:$0x3FA5]  }
0x30: {  	s3 =	sld [smem:$0x3FA8]  }
0x31: {  	[smem:$0x3FB1] =	sst s10  }
0x32: {  	s10 =	sld [smem:$0x3FAF];
	_ =	sdelay $0x3  }
0x33: {  	p0 =	seq.s32 s10, $0x1;
	s10 =	sld [smem:$0x3FB1];
	_ =	sdelay $0x3  }
0x34: {  	[smem:$0x3FB1] =	sst s10  }
0x35: {  	s10 =	sld [smem:$0x3FB0];
	_ =	sdelay $0x3  }
0x36: {  	p1 =	seq.s32 s10, $0x1;
	s10 =	sld [smem:$0x3FB1];
	_ =	sdelay $0x3  }
0x37: {  	[smem:$0x3FB1] =	sst s10  }
0x38: {  	s10 =	sld [smem:$0x3FB2]  }
0x39: {  	_ = 	snop;
	(pc) =	sbr.ind lr, $3  }
0x3a: {  	_ = 	snop  }
0x3b: {  	_ = 	snop  }
0x3c: {  	p2 =	seq.s32 s10, $0x1;
	s10 =	sld [smem:$0x3FB1]  }
0x3d: {  	_ =	shalt  }
0x3e: {  	_ =	shalt  }
0x3f: {  	_ =	shalt  }
0x40: {  	_ =	shalt  }
0x41: {  	_ =	shalt  }
0x42: {  	_ =	shalt  }
0x43: {  	_ =	shalt  }
0x44: {  	_ =	shalt  }
0x45: {  	_ =	shalt  }
0x46: {  	_ =	shalt  }
0x47: {  	_ =	shalt  }
0x48: {  	_ =	shalt  }
0x49: {  	_ =	shalt  }
0x4a: {  	_ =	shalt  }
0x4b: {  	_ =	shalt  }
0x4c: {  	_ =	shalt  }
0x4d: {  	_ =	shalt  }
0x4e: {  	_ =	shalt  }
0x4f: {  	_ =	shalt  }
0x50: {  	_ =	shalt  }
0x51: {  	_ =	shalt  }
0x52: {  	_ =	shalt  }
0x53: {  	_ =	shalt  }
0x54: {  	_ =	shalt  }
0x55: {  	_ =	shalt  }
0x56: {  	_ =	shalt  }
0x57: {  	_ =	shalt  }
0x58: {  	_ =	shalt  }
0x59: {  	_ =	shalt  }
0x5a: {  	_ =	shalt  }
0x5b: {  	_ =	shalt  }
0x5c: {  	_ =	shalt  }
0x5d: {  	_ =	shalt  }
0x5e: {  	_ =	shalt  }
0x5f: {  	_ =	shalt  }
0x60: {  	_ =	shalt  }
0x61: {  	_ =	shalt  }
0x62: {  	_ =	shalt  }
0x63: {  	_ =	shalt  }
0x64: {  	_ =	shalt  }
0x65: {  	_ =	shalt  }
0x66: {  	_ =	shalt  }
0x67: {  	_ =	shalt  }
0x68: {  	_ =	shalt  }
0x69: {  	_ =	shalt  }
0x6a: {  	_ =	shalt  }
0x6b: {  	_ =	shalt  }
0x6c: {  	_ =	shalt  }
0x6d: {  	_ =	shalt  }
0x6e: {  	_ =	shalt  }
0x6f: {  	_ =	shalt  }
0x70: {  	_ =	shalt  }
0x71: {  	_ =	shalt  }
0x72: {  	_ =	shalt  }
0x73: {  	_ =	shalt  }
0x74: {  	_ =	shalt  }
0x75: {  	_ =	shalt  }
0x76: {  	_ =	shalt  }
0x77: {  	_ =	shalt  }
0x78: {  	_ =	shalt  }
0x79: {  	_ =	shalt  }
0x7a: {  	_ =	shalt  }
0x7b: {  	_ =	shalt  }
0x7c: {  	_ =	shalt  }
0x7d: {  	_ =	shalt  }
0x7e: {  	_ =	shalt  }
0x7f: {  	_ =	shalt  }
0x80: {  	_ =	shalt  }
0x81: {  	_ =	shalt  }
0x82: {  	_ =	shalt  }
0x83: {  	_ =	shalt  }
0x84: {  	_ =	shalt  }
0x85: {  	_ =	shalt  }
0x86: {  	_ =	shalt  }
0x87: {  	_ =	shalt  }
.Lfunc_end0:
.L_simem_size_0:
called_computation.1_lowered:
.L_overlay_start_0:
0x88: {  	s2 =	sld [smem:$0x3FD9]  }
0x89: {  	s3 =	sld [smem:$0x3FFE];
	_ =	sdelay $0x1  }
0x8a: {  	s1 =	srdreg.scid  }
0x8b: {  	s0 =	sand.u32 $0x1, s1  }
0x8c: {  	s16 =	sshll.u32 s0, $0xA;
	s2 =	sadd.s32 s3, s2  }
0x8d: {  	s2 =	sadd.s32 s2, s16  }
0x8e: {  	[smem:$0x3FBD] =	sst s2  }
0x8f: {  	_ = 	snop  }
0x90: {  	(tm) =	ssettm $0x1  }
0x91: {  	s17 =	sld [smem:$0x3FFB];
	_ =	sdelay $0x3  }
0x92: {  	_ =	strace s17  }
0x93: {  	s2 =	sld [smem:$0x3FFC];
	_ =	sdelay $0x3  }
0x94: {  	_ =	strace s2  }
0x95: {  	s2 =	sld [smem:$0x3FFD];
	_ =	sdelay $0x3  }
0x96: {  	_ =	strace s2  }
0x97: {  	_ =	strace $0x8FFFFFFF  }
0x98: {  	s18 =	sld [smem:$0x3FDB];
	_ =	sdelay $0x1  }
0x99: {  	s19 =	simm.s32 $_scs_section_size  }
0x9a: {  	s4 =	simm.s32 $_size__tile_overlayer_lowered;
	s5 =	simm.s32 $_tile_overlayer_lowered  }
0x9b: {  	s22 =	simm.s32 $0x1BFF;
	s21 =	sshll.u32 s5, $0x1;
	s2 =	sadd.s32 s19, s18  }
0x9c: {  	s6 =	simm.s32 $0x0;
	s20 =	sshll.u32 s4, $0x1;
	s4 =	sadd.s32 s21, s2  }
0x9d: {  	[timem:s6], [sflag:s22] =	dma.local [hbm:s4], s20  }
0x9e: {  	_ =	swait.ge [sflag:s22], s20  }
0x9f: {  	s3 =	ssub.s32 $0x0, s20;
	[sflag:s22] =	ssyncset.done $0x0  }
0xa0: {  	[sflag:s22] =	ssyncadd.s32 s3;
	_ =	sdelay $0x1  }
0xa1: {  	s23 =	simm.s32 $0x1B8B  }
0xa2: {  	_ =	swait.ge [sflag:s23], $0x1  }
0xa3: {  	[sflag:s23] =	ssyncset.done $0x0  }
0xa4: {  	s25 =	simm.s32 $0x1B8E;
	s24 =	sld [smem:$0x3FFE];
	[sflag:s23] =	ssyncadd.s32 $0xFFFFFFFF  }
0xa5: {  	s26 =	simm.s32 $execute0_lowered;
	[smem:$0x3FD2] =	sst s25  }
0xa6: {  	s4 =	sshll.u32 s26, $0x1;
	_ =	strace $0x80000049;
	[dreg:$0x1] =	wrdreg $0xFFFFFFFF  }
0xa7: {  	s28 =	simm.s32 $_size_execute0_lowered;
	s2 =	sadd.s32 s2, s4;
	[dreg:$0x0] =	wrdreg $0x0  }
0xa8: {  	s4 =	sshll.u32 s28, $0x1;
	[dreg:$0x2] =	wrdreg s2  }
0xa9: {  	[dreg:$0x3] =	wrdreg s4  }
0xaa: {  	[dreg:$0x4] =	wrdreg $0xC0  }
0xab: {  	_ =	task [dreg:s6], $0x5FFFF  }
0xac: {  	[dreg:$0x1] =	wrdreg $0xFFFFFFFF  }
0xad: {  	[dreg:$0x0] =	wrdreg $0x60  }
0xae: {  	[dreg:$0x2] =	wrdreg s24  }
0xaf: {  	[dreg:$0x3] =	wrdreg $0xB9800  }
0xb0: {  	[dreg:$0x4] =	wrdreg $0x9  }
0xb1: {  	_ =	task.clear_ibuf [dreg:s6], $0x5FFFF;
	_ =	strace $0x90000049  }
0xb2: {  	s29 =	simm.s32 $0x9;
	_ =	strace $0x8000004B  }
0xb3: {  	_ =	swait.ge [sflag:s29], $0x1  }
0xb4: {  	[sflag:s29] =	ssyncadd.s32 $0xFFFFFFFF  }
0xb5: {  	_ =	strace $0x9000004B  }
0xb6: {  	_ =	sfence  }
0xb7: {  	s30 =	sld [smem:$0x0];
	_ =	sdelay $0x2  }
0xb8: {  	s31 =	sshll.u32 s1, $0xD;
	s1 =	sshrl.u32 s1, $0x2  }
0xb9: {  	s3 =	sand.u32 $0x4000, s31;
	s1 =	sadd.s32 s1, s30  }
0xba: {  	s0 =	sor.u32 s3, s0;
	s1 =	sshll.u32 s1, $0x11  }
0xbb: {  	s0 =	sor.u32 s1, s0  }
0xbc: {  	s0 =	sadd.s32 $0x8F2B, s0  }
0xbd: {  	[sflag:s0] =	ssyncadd.remote.s32 $0x1  }
0xbe: {  	_ =	sfence.sel $0xFFFF  }
0xbf: {  	[dreg:$0x0] =	wrdreg $0xFFFFFFFF;
	(pc) =	sbr.abs _section_cstart, $3  }
0xc0: {  	[dreg:$0x1] =	wrdreg $0xFFFFFFFF  }
0xc1: {  	_ =	task.clear_ibuf [dreg:s6], $0x2FFFF;
	_ =	strace $0x9FFFFFFF  }
0xc2: {  	(tm) =	ssettm $0x7FFFFFFF  }
0xc3: {  	_ =	shalt  }
tec
execute0_lowered:
.L_overlay_start_1:
0x0: {  	(tag) =	ssettag $0x1  }
0x1: {  	s0 =	rddreg [dreg:$0x0]  }
0x2: {  	s1 =	rddreg [dreg:$0x1];
	s3 =	simm.s32 $0x0;
	s2 =	srdreg.scid  }
0x3: {  	s11 =	stileid.u32;
	s28 =	simm.s32 $0x6980;
	s29 =	simm.s32 $0x4  }
0x4: {  	s30 =	simm.s32 $0x3;
	s31 =	simm.s32 $0x9180;
	s7 =	smul.u32 $0x14000, s11  }
0x5: {  	[smem:$0x7FF] =	sst s3;
	s2 =	sand.u32 $0x1, s2;
	s14 =	smul.u32 $0x50000, s11  }
0x6: {  	s8 =	sadd.s32 $0x2C00, s0;
	s10 =	sadd.s32 $0x1D000, s0;
	s19 =	smul.u32 $0x2710, s11  }
0x7: {  	s26 =	sshll.u32 s11, $0x6;
	s4 =	sshll.u32 s2, $0x4;
	s5 =	smul.u32 $0x140000, s2  }
0x8: {  	_ =	strace $0x8000004A;
	[dreg:$0x3] =	wrdreg s10;
	s12 =	ssub.s32 $0x2, s2  }
0x9: {  	s2 =	smul.u32 $0x27100, s2;
	s6 =	sor.u32 s11, s4;
	s4 =	sadd.s32 $0x6F800, s0  }
0xa: {  	s13 =	sshrl.u32 s12, $0x1;
	s17 =	sshrl.u32 s14, $0x2;
	s9 =	sshll.u32 s6, $0xB  }
0xb: {  	s5 =	sadd.s32 s7, s5;
	s6 =	smul.u32 $0x2710, s6;
	s24 =	sadd.s32 s19, s2  }
0xc: {  	s19 =	simm.s32 $0x4000;
	s9 =	sadd.s32 s9, s0;
	s5 =	sshrl.u32 s5, $0x3  }
0xd: {  	s2 =	sadd.s32 $0x190, s24;
	s25 =	sadd.s32 $0x230, s24;
	s0 =	sadd.s32 s5, s0  }
0xe: {  	s5 =	ssub.s32 s12, s13;
	s15 =	sadd.s32 $0xCA00, s9;
	s6 =	sshrl.u32 s6, $0x3  }
0xf: {  	s2 =	sshrl.u32 s2, $0x3;
	s9 =	simm.s32 $0x0;
	[dreg:$0x4] =	wrdreg s15  }
0x10: {  	s16 =	sadd.s32 s8, s6;
	s6 =	sadd.s32 s17, s1;
	s0 =	sadd.s32 $0x96A00, s0  }
0x11: {  	s20 =	smax.u32 s5, $0x1;
	s5 =	sshrl.u32 s25, $0x3;
	[dreg:$0x7] =	wrdreg s6  }
0x12: {  	s2 =	sadd.s32 s2, s8;
	s25 =	simm.s32 $0x4100;
	[dreg:$0x8] =	wrdreg s0  }
0x13: {  	s18 =	sadd.s32 $0xA, s16;
	[dreg:$0x9] =	wrdreg s20;
	s21 =	sadd.s32 $0x14, s16  }
0x14: {  	s22 =	sadd.s32 $0x1E, s16;
	[dreg:$0x5] =	wrdreg s16;
	s23 =	sadd.s32 $0x28, s16  }
0x15: {  	s0 =	sadd.s32 $0x1E0, s24;
	[dreg:$0xd] =	wrdreg s2;
	s16 =	sadd.s32 s5, s8  }
0x16: {  	s20 =	simm.s32 $0x4080;
	s24 =	sor.u32 $0x1C0A, s26;
	[dreg:$0x6] =	wrdreg s18  }
0x17: {  	s26 =	simm.s32 $0x2;
	s2 =	simm.s32 $0x7;
	[dreg:$0xa] =	wrdreg s21  }
0x18: {  	s5 =	simm.s32 $0x6;
	s6 =	simm.s32 $0x8;
	[dreg:$0xb] =	wrdreg s22  }
0x19: {  	[dreg:$0xc] =	wrdreg s23;
	s0 =	sshrl.u32 s0, $0x3;
	s18 =	simm.s32 $0xA  }
0x1a: {  	s21 =	simm.s32 $0x1;
	s22 =	simm.s32 $0x50;
	s23 =	simm.s32 $0x4180  }
0x1b: {  	s17 =	sadd.s32 s0, s8;
	s0 =	simm.s32 $0x5;
	s8 =	simm.s32 $0x9  }
.LBB2_1:
0x1c: {  	s7 =	rddreg [dreg:$0x4]  }
0x1d: {  	[tilespmem:s3], [sflag:$0xA] =	stream.linear.gather [hbm4b:s7+s3], $0x3E80, $0x38;
	[tilespmem:$0x1F980] =	vst v63  }
0x1e: {  	_ =	swait.ge [sflag:s18], $0x3E80  }
0x1f: {  	[sflag:s18] =	ssyncset.done $0x0  }
0x20: {  	s15 =	rddreg [dreg:$0x5];
	[sflag:s18] =	ssyncadd.s32 $0xFFFFC180  }
0x21: {  	[tilespmem:s19], [sflag:$0x1] =	stream.linear.gather [hbm4b:s15+s3], $0x50, $0x38;
	[tilespmem:$0x1F980] =	vst v63  }
0x22: {  	s10 =	rddreg [dreg:$0x6]  }
0x23: {  	[tilespmem:s20], [sflag:$0x2] =	stream.linear.gather [hbm4b:s10+s3], $0x50, $0x38;
	[tilespmem:$0x1F980] =	vst v63  }
0x24: {  	_ =	swait.ge [sflag:s21], $0x50  }
0x25: {  	[sflag:s21] =	ssyncset.done $0x0;
	s11 =	rddreg [dreg:$0x7]  }
0x26: {  	s12 =	rddreg [dreg:$0x3];
	[sflag:s21] =	ssyncadd.s32 $0xFFFFFFB0;
	s10 =	sshrl.u32 s11, $0x3  }
0x27: {  	[tilespmem:s23], [sflag:$0x4] =	stream.indirect.gather [hbm4b:s4+s22], $0x80, s19, s22, $0xb8;
	[tilespmem:$0x1F980] =	vst v63  }
0x28: {  	[spmem:s10], [sflag:s24] =	dma.local [hbm:s12], $0x2800  }
0x29: {  	_ =	swait.ge [sflag:s18], $0x2800  }
0x2a: {  	[sflag:s18] =	ssyncset.done $0x0  }
0x2b: {  	[sflag:s18] =	ssyncadd.s32 $0xFFFFD800  }
0x2c: {  	[bflag:$0x0] =	sbarrier.arrive $0xFFFF  }
0x2d: {  	s13 =	rddreg [dreg:$0xa]  }
0x2e: {  	[tilespmem:s25], [sflag:$0x3] =	stream.linear.gather [hbm4b:s13+s3], $0x50, $0x38;
	[tilespmem:$0x1F980] =	vst v63  }
0x2f: {  	_ =	swait.ge [sflag:s26], $0x50  }
0x30: {  	[sflag:s26] =	ssyncset.done $0x0  }
0x31: {  	[sflag:s26] =	ssyncadd.s32 $0xFFFFFFB0  }
0x32: {  	[tilespmem:s28], [sflag:$0x5] =	stream.indirect.gather [hbm4b:s4+s22], $0x80, s20, s22, $0xb8;
	[tilespmem:$0x1F980] =	vst v63  }
0x33: {  	_ =	swait.ge [sflag:s29], $0x2800  }
0x34: {  	[sflag:s29] =	ssyncset.done $0x0  }
0x35: {  	[sflag:s29] =	ssyncadd.s32 $0xFFFFD800  }
0x36: {  	[spmem:s1] =	stream.indirect.scatter.add.f32 [tilespmem:s23], [sflag:$0x7], $0x80, s3, s22, $0xb8;
	[tilespmem:$0x1F980] =	vst v63  }
0x37: {  	s14 =	rddreg [dreg:$0xb]  }
0x38: {  	[tilespmem:s19], [sflag:$0x1] =	stream.linear.gather [hbm4b:s14+s3], $0x50, $0x38;
	[tilespmem:$0x1F980] =	vst v63  }
0x39: {  	_ =	swait.ge [sflag:s30], $0x50  }
0x3a: {  	[sflag:s30] =	ssyncset.done $0x0  }
0x3b: {  	[sflag:s30] =	ssyncadd.s32 $0xFFFFFFB0  }
0x3c: {  	[tilespmem:s31], [sflag:$0x6] =	stream.indirect.gather [hbm4b:s4+s22], $0x80, s25, s22, $0xb8;
	[tilespmem:$0x1F980] =	vst v63  }
0x3d: {  	_ =	swait.ge [sflag:s0], $0x2800  }
0x3e: {  	[sflag:s0] =	ssyncset.done $0x0  }
0x3f: {  	s15 =	simm.s32 $0x80;
	[sflag:s0] =	ssyncadd.s32 $0xFFFFD800  }
0x40: {  	[spmem:s1] =	stream.indirect.scatter.add.f32 [tilespmem:s28], [sflag:$0x8], $0x80, s15, s22, $0xb8;
	[tilespmem:$0x1F980] =	vst v63  }
0x41: {  	s11 =	rddreg [dreg:$0xc]  }
0x42: {  	[tilespmem:s20], [sflag:$0x2] =	stream.linear.gather [hbm4b:s11+s3], $0x50, $0x38;
	[tilespmem:$0x1F980] =	vst v63  }
0x43: {  	_ =	swait.ge [sflag:s2], $0x2800  }
0x44: {  	[sflag:s2] =	ssyncset.done $0x0  }
0x45: {  	[sflag:s2] =	ssyncadd.s32 $0xFFFFD800  }
0x46: {  	_ =	swait.ge [sflag:s21], $0x50  }
0x47: {  	[sflag:s21] =	ssyncset.done $0x0  }
0x48: {  	[sflag:s21] =	ssyncadd.s32 $0xFFFFFFB0  }
0x49: {  	[tilespmem:s23], [sflag:$0x4] =	stream.indirect.gather [hbm4b:s4+s22], $0x80, s19, s22, $0xb8;
	[tilespmem:$0x1F980] =	vst v63  }
0x4a: {  	_ =	swait.ge [sflag:s5], $0x2800  }
0x4b: {  	[sflag:s5] =	ssyncset.done $0x0  }
0x4c: {  	s12 =	simm.s32 $0x100;
	[sflag:s5] =	ssyncadd.s32 $0xFFFFD800  }
0x4d: {  	[spmem:s1] =	stream.indirect.scatter.add.f32 [tilespmem:s31], [sflag:$0x9], $0x80, s12, s22, $0xb8;
	[tilespmem:$0x1F980] =	vst v63  }
0x4e: {  	s14 =	rddreg [dreg:$0xd]  }
0x4f: {  	[tilespmem:s25], [sflag:$0x3] =	stream.linear.gather [hbm4b:s14+s3], $0x50, $0x38;
	[tilespmem:$0x1F980] =	vst v63  }
0x50: {  	_ =	swait.ge [sflag:s6], $0x2800  }
0x51: {  	[sflag:s6] =	ssyncset.done $0x0  }
0x52: {  	[sflag:s6] =	ssyncadd.s32 $0xFFFFD800  }
0x53: {  	_ =	swait.ge [sflag:s26], $0x50  }
0x54: {  	[sflag:s26] =	ssyncset.done $0x0  }
0x55: {  	[sflag:s26] =	ssyncadd.s32 $0xFFFFFFB0  }
0x56: {  	[tilespmem:s28], [sflag:$0x5] =	stream.indirect.gather [hbm4b:s4+s22], $0x80, s20, s22, $0xb8;
	[tilespmem:$0x1F980] =	vst v63  }
0x57: {  	_ =	swait.ge [sflag:s29], $0x2800  }
0x58: {  	[sflag:s29] =	ssyncset.done $0x0  }
0x59: {  	s13 =	simm.s32 $0x180;
	[sflag:s29] =	ssyncadd.s32 $0xFFFFD800  }
0x5a: {  	[spmem:s1] =	stream.indirect.scatter.add.f32 [tilespmem:s23], [sflag:$0x7], $0x80, s13, s22, $0xb8;
	[tilespmem:$0x1F980] =	vst v63  }
0x5b: {  	_ = 	snop  }
0x5c: {  	[tilespmem:s19], [sflag:$0x1] =	stream.linear.gather [hbm4b:s17+s3], $0x50, $0x38;
	[tilespmem:$0x1F980] =	vst v63  }
0x5d: {  	_ =	swait.ge [sflag:s8], $0x2800  }
0x5e: {  	[sflag:s8] =	ssyncset.done $0x0  }
0x5f: {  	[sflag:s8] =	ssyncadd.s32 $0xFFFFD800  }
0x60: {  	_ =	swait.ge [sflag:s30], $0x50  }
0x61: {  	[sflag:s30] =	ssyncset.done $0x0  }
0x62: {  	[sflag:s30] =	ssyncadd.s32 $0xFFFFFFB0  }
0x63: {  	[tilespmem:s31], [sflag:$0x6] =	stream.indirect.gather [hbm4b:s4+s22], $0x80, s25, s22, $0xb8;
	[tilespmem:$0x1F980] =	vst v63  }
0x64: {  	_ =	swait.ge [sflag:s0], $0x2800  }
0x65: {  	[sflag:s0] =	ssyncset.done $0x0  }
0x66: {  	s15 =	simm.s32 $0x200;
	[sflag:s0] =	ssyncadd.s32 $0xFFFFD800  }
0x67: {  	[spmem:s1] =	stream.indirect.scatter.add.f32 [tilespmem:s28], [sflag:$0x8], $0x80, s15, s22, $0xb8;
	[tilespmem:$0x1F980] =	vst v63  }
0x68: {  	_ = 	snop  }
0x69: {  	[tilespmem:s20], [sflag:$0x2] =	stream.linear.gather [hbm4b:s16+s3], $0x50, $0x38;
	[tilespmem:$0x1F980] =	vst v63  }
0x6a: {  	_ =	swait.ge [sflag:s2], $0x2800  }
0x6b: {  	[sflag:s2] =	ssyncset.done $0x0  }
0x6c: {  	[sflag:s2] =	ssyncadd.s32 $0xFFFFD800  }
0x6d: {  	_ =	swait.ge [sflag:s21], $0x50  }
0x6e: {  	[sflag:s21] =	ssyncset.done $0x0  }
0x6f: {  	[sflag:s21] =	ssyncadd.s32 $0xFFFFFFB0  }
0x70: {  	[tilespmem:s23], [sflag:$0x4] =	stream.indirect.gather [hbm4b:s4+s22], $0x80, s19, s22, $0xb8;
	[tilespmem:$0x1F980] =	vst v63  }
0x71: {  	s7 =	simm.s32 $0x280;
	_ =	swait.ge [sflag:s5], $0x2800  }
0x72: {  	s11 =	simm.s32 $0x600;
	s12 =	sadd.s32 $0x1E, s16;
	[sflag:s5] =	ssyncset.done $0x0  }
0x73: {  	s14 =	sadd.s32 $0x1E, s14;
	s13 =	sadd.s32 $0x1E, s17;
	[sflag:s5] =	ssyncadd.s32 $0xFFFFD800  }
.LBB2_2:
0x74: {  	[spmem:s1] =	stream.indirect.scatter.add.f32 [tilespmem:s31], [sflag:$0x9], $0x80, s7, s22, $0xb8;
	[tilespmem:$0x1F980] =	vst v63  }
0x75: {  	p0 =	sne.s32 s11, $0xEA00;
	s7 =	smov.u32 s11;
	s11 =	sadd.s32 $0x600, s11  }
0x76: {  	[tilespmem:s25], [sflag:$0x3] =	stream.linear.gather [hbm4b:s14+s3], $0x50, $0x38;
	[tilespmem:$0x1F980] =	vst v63  }
0x77: {  	_ =	swait.ge [sflag:s6], $0x2800  }
0x78: {  	[sflag:s6] =	ssyncset.done $0x0  }
0x79: {  	[sflag:s6] =	ssyncadd.s32 $0xFFFFD800  }
0x7a: {  	_ =	swait.ge [sflag:s26], $0x50  }
0x7b: {  	[sflag:s26] =	ssyncset.done $0x0  }
0x7c: {  	[sflag:s26] =	ssyncadd.s32 $0xFFFFFFB0  }
0x7d: {  	[tilespmem:s28], [sflag:$0x5] =	stream.indirect.gather [hbm4b:s4+s22], $0x80, s20, s22, $0xb8;
	[tilespmem:$0x1F980] =	vst v63  }
0x7e: {  	_ =	swait.ge [sflag:s29], $0x2800  }
0x7f: {  	s7 =	sshra.s32 s7, $0x2;
	[sflag:s29] =	ssyncset.done $0x0  }
0x80: {  	s15 =	sadd.s32 $0x180, s7;
	[sflag:s29] =	ssyncadd.s32 $0xFFFFD800  }
0x81: {  	[spmem:s1] =	stream.indirect.scatter.add.f32 [tilespmem:s23], [sflag:$0x7], $0x80, s15, s22, $0xb8;
	[tilespmem:$0x1F980] =	vst v63  }
0x82: {  	_ = 	snop  }
0x83: {  	[tilespmem:s19], [sflag:$0x1] =	stream.linear.gather [hbm4b:s13+s3], $0x50, $0x38;
	[tilespmem:$0x1F980] =	vst v63  }
0x84: {  	_ =	swait.ge [sflag:s8], $0x2800  }
0x85: {  	[sflag:s8] =	ssyncset.done $0x0  }
0x86: {  	[sflag:s8] =	ssyncadd.s32 $0xFFFFD800  }
0x87: {  	_ =	swait.ge [sflag:s30], $0x50  }
0x88: {  	[sflag:s30] =	ssyncset.done $0x0  }
0x89: {  	[sflag:s30] =	ssyncadd.s32 $0xFFFFFFB0  }
0x8a: {  	[tilespmem:s31], [sflag:$0x6] =	stream.indirect.gather [hbm4b:s4+s22], $0x80, s25, s22, $0xb8;
	[tilespmem:$0x1F980] =	vst v63  }
0x8b: {  	_ =	swait.ge [sflag:s0], $0x2800  }
0x8c: {  	[sflag:s0] =	ssyncset.done $0x0  }
0x8d: {  	s15 =	sadd.s32 $0x200, s7;
	[sflag:s0] =	ssyncadd.s32 $0xFFFFD800  }
0x8e: {  	[spmem:s1] =	stream.indirect.scatter.add.f32 [tilespmem:s28], [sflag:$0x8], $0x80, s15, s22, $0xb8;
	[tilespmem:$0x1F980] =	vst v63  }
0x8f: {  	_ = 	snop  }
0x90: {  	[tilespmem:s20], [sflag:$0x2] =	stream.linear.gather [hbm4b:s12+s3], $0x50, $0x38;
	[tilespmem:$0x1F980] =	vst v63  }
0x91: {  	_ =	swait.ge [sflag:s2], $0x2800  }
0x92: {  	[sflag:s2] =	ssyncset.done $0x0  }
0x93: {  	[sflag:s2] =	ssyncadd.s32 $0xFFFFD800  }
0x94: {  	_ =	swait.ge [sflag:s21], $0x50  }
0x95: {  	[sflag:s21] =	ssyncset.done $0x0  }
.Ltmp0:
0x96: {  	[sflag:s21] =	ssyncadd.s32 $0xFFFFFFB0;
	(pc) =	sbr.rel @p0 .LBB2_2-.Ltmp0, $4  }
0x97: {  	[tilespmem:s23], [sflag:$0x4] =	stream.indirect.gather [hbm4b:s4+s22], $0x80, s19, s22, $0xb8;
	[tilespmem:$0x1F980] =	vst v63  }
0x98: {  	_ =	swait.ge [sflag:s5], $0x2800  }
0x99: {  	s13 =	sadd.s32 $0x1E, s13;
	s12 =	sadd.s32 $0x1E, s12;
	[sflag:s5] =	ssyncset.done $0x0  }
0x9a: {  	s14 =	sadd.s32 $0x1E, s14;
	s7 =	sadd.s32 $0x280, s7;
	[sflag:s5] =	ssyncadd.s32 $0xFFFFD800  }
0x9b: {  	[spmem:s1] =	stream.indirect.scatter.add.f32 [tilespmem:s31], [sflag:$0x9], $0x80, s7, s22, $0xb8;
	[tilespmem:$0x1F980] =	vst v63  }
0x9c: {  	_ =	swait.ge [sflag:s6], $0x2800  }
0x9d: {  	[sflag:s6] =	ssyncset.done $0x0  }
0x9e: {  	[sflag:s6] =	ssyncadd.s32 $0xFFFFD800  }
0x9f: {  	_ =	swait.ge [sflag:s26], $0x50  }
0xa0: {  	[sflag:s26] =	ssyncset.done $0x0  }
0xa1: {  	[sflag:s26] =	ssyncadd.s32 $0xFFFFFFB0  }
0xa2: {  	[tilespmem:s28], [sflag:$0x5] =	stream.indirect.gather [hbm4b:s4+s22], $0x80, s20, s22, $0xb8;
	[tilespmem:$0x1F980] =	vst v63  }
0xa3: {  	_ =	swait.ge [sflag:s29], $0x2800  }
0xa4: {  	[sflag:s29] =	ssyncset.done $0x0  }
0xa5: {  	s12 =	simm.s32 $0x3D80;
	[sflag:s29] =	ssyncadd.s32 $0xFFFFD800  }
0xa6: {  	[spmem:s1] =	stream.indirect.scatter.add.f32 [tilespmem:s23], [sflag:$0x7], $0x80, s12, s22, $0xb8;
	[tilespmem:$0x1F980] =	vst v63  }
0xa7: {  	_ =	swait.ge [sflag:s8], $0x2800  }
0xa8: {  	[sflag:s8] =	ssyncset.done $0x0  }
0xa9: {  	[sflag:s8] =	ssyncadd.s32 $0xFFFFD800  }
0xaa: {  	_ =	swait.ge [sflag:s0], $0x2800  }
0xab: {  	[sflag:s0] =	ssyncset.done $0x0  }
0xac: {  	s13 =	simm.s32 $0x3E00;
	[sflag:s0] =	ssyncadd.s32 $0xFFFFD800  }
0xad: {  	[spmem:s1] =	stream.indirect.scatter.add.f32 [tilespmem:s28], [sflag:$0x8], $0x80, s13, s22, $0xb8;
	[tilespmem:$0x1F980] =	vst v63  }
0xae: {  	_ =	swait.ge [sflag:s2], $0x2800  }
0xaf: {  	[sflag:s2] =	ssyncset.done $0x0  }
0xb0: {  	[sflag:s2] =	ssyncadd.s32 $0xFFFFD800  }
0xb1: {  	_ =	swait.ge [sflag:s6], $0x2800  }
0xb2: {  	[sflag:s6] =	ssyncset.done $0x0  }
0xb3: {  	[sflag:s6] =	ssyncadd.s32 $0xFFFFD800  }
0xb4: {  	[bflag:$0x0] =	sbarrier.arrive $0xFFFF  }
0xb5: {  	s14 =	rddreg [dreg:$0x8]  }
0xb6: {  	[hbm:s14], [sflag:s24] =	dma.local [spmem:s10], $0x2800  }
0xb7: {  	_ =	swait.ge [sflag:s18], $0x2800  }
0xb8: {  	s9 =	sadd.s32 $0x1, s9;
	s15 =	rddreg [dreg:$0x9]  }
0xb9: {  	p0 =	sne.s32 s9, s15  }
.Ltmp1:
0xba: {  	_ = 	snop;
	(pc) =	sbr.rel @p0 .LBB2_1-.Ltmp1, $3  }
0xbb: {  	_ =	sdelay $0x1  }
0xbc: {  	[sflag:s18] =	ssyncset.done $0x0  }
0xbd: {  	[sflag:s18] =	ssyncadd.s32 $0xFFFFD800  }
0xbe: {  	_ =	sfence.sel $0x180000  }
0xbf: {  	[bflag:$0x0] =	sbarrier.arrive $0xFFFF  }
0xc0: {  	_ =	strace $0x9000004A  }
0xc1: {  	s0 =	stileid.u32;
	[bflag:$0x2] =	sbarrier.arrive $0xFFFF  }
0xc2: {  	p0 =	sne.s32 s0, $0x0;
	s0 =	rddreg [dreg:$0x2]  }
0xc3: {  	s0 =	sadd.s32 @!p0 $0x100000, s0  }
0xc4: {  	[sflag:s0] =	ssyncadd.tile.s32 @!p0 $0x1;
	_ =	shalt  }
.Lfunc_end2:
_tile_overlayer_lowered:
.L_overlay_start_2:
0xc5: {  	(tag) =	ssettag $0x2  }
0xc6: {  	s0 =	rddreg [dreg:$0x0];
	s2 =	stileid.u32  }
0xc7: {  	s1 =	rddreg [dreg:$0x1];
	p0 =	sne.s32 s2, $0x0  }
0xc8: {  	s3 =	rddreg [dreg:$0x2];
	[bflag:$0x3] =	sbarrier.arrive $0xFFFF;
	s2 =	simm.s32 @!p0 $0x1C0A  }
0xc9: {  	[timem:s3], [sflag:s2] =	dma.local @!p0 [hbm:s0], s1  }
0xca: {  	s0 =	simm.s32 @!p0 $0xA  }
0xcb: {  	_ =	swait.ge @!p0 [sflag:s0], s1  }
0xcc: {  	s1 =	ssub.s32 @!p0 $0x0, s1;
	[sflag:s0] =	ssyncset.done @!p0 $0x0  }
0xcd: {  	[sflag:s0] =	ssyncadd.s32 @!p0 s1  }
0xce: {  	[bflag:$0x3] =	sbarrier.arrive $0xFFFF  }
0xcf: {  	_ =	shalt  }

// kernel: kernel.15.cloned.1.call-start
scs
__scs_entry_jumppad:
0x0: {  	(pc) =	sbr.rel $0x88, $3  }
0x1: {  	(tag) =	ssettag $0x0;
	lr =	simm.s32 $0x1  }
0x2: {  	[smem:$0x3F96] =	sst lr;
	_ =	strace $0xD0000000  }
0x3: {  	_ = 	snop  }
0x4: {  	_ = 	snop  }
0x5: {  	_ = 	snop  }
0x6: {  	_ = 	snop  }
0x7: {  	_ = 	snop  }
__scs_overlays_trampoline_lowered:
0x8: {  	[smem:$0x3FA5] =	sst s0  }
0x9: {  	[smem:$0x3FA6] =	sst s1  }
0xa: {  	[smem:$0x3FA7] =	sst s2  }
0xb: {  	[smem:$0x3FA8] =	sst s3  }
0xc: {  	[smem:$0x3FA9] =	sst s4  }
0xd: {  	[smem:$0x3FAA] =	sst s5  }
0xe: {  	[smem:$0x3FAB] =	sst s6  }
0xf: {  	[smem:$0x3FAC] =	sst s7  }
0x10: {  	[smem:$0x3FAD] =	sst s8  }
0x11: {  	[smem:$0x3FAE] =	sst s9;
	s0 =	simm.s32 @!p0 $0x0  }
0x12: {  	s1 =	sld [smem:$0x3F94];
	s0 =	simm.s32 @p0 $0x1  }
0x13: {  	[smem:$0x3FAF] =	sst s0;
	s0 =	simm.s32 @!p1 $0x0  }
0x14: {  	s2 =	sld [smem:$0x3F93];
	s0 =	simm.s32 @p1 $0x1  }
0x15: {  	[smem:$0x3FB0] =	sst s0;
	s0 =	simm.s32 @!p2 $0x0  }
0x16: {  	s3 =	sld [smem:$0x3FDB];
	s0 =	simm.s32 @p2 $0x1  }
0x17: {  	s4 =	simm.s32 $0x1BF5;
	[smem:$0x3FB2] =	sst s0  }
0x18: {  	s0 =	sld [smem:$0x3F95];
	_ =	swait.ge [sflag:s4], $0x0  }
0x19: {  	s7 =	sld [smem:$0x3F96]  }
0x1a: {  	s8 =	sadd.s32 $0xFFFFE003, lr  }
0x1b: {  	s9 =	sadd.s32 $0xFFFFFEF7, lr;
	s5 =	simm.s32 $0xFFFFFFFF;
	p2 =	slt.u32 s8, $0xFFFFF086  }
0x1c: {  	p1 =	slt.u32 s9, $0xF7A;
	s5 =	simm.s32 @!p2 $0x0  }
0x1d: {  	s5 =	simm.s32 @p1 $0x1;
	p0 =	seq.s32 s7, s2  }
0x1e: {  	s7 =	smul.u32 @!p0 $0xF7A, s2;
	p2 =	seq.s32 @!p0 s5, $0x0  }
0x1f: {  	s9 =	smul.u32 $0xF7A, s1;
	s8 =	simm.s32 @!p0 $0x1BF5;
	p2 =	por !p2, p0  }
0x20: {  	[sflag:s8] =	ssyncset.s32 @!p0 $0xFFFFF086;
	s6 =	sadd.s32 @!p0 s3, s7;
	s7 =	simm.s32 @!p0 $0x108  }
0x21: {  	s3 =	sadd.s32 s3, s9;
	s6 =	sadd.s32 @!p0 $0x88, s6;
	s7 =	simm.s32 @p2 $0x1082  }
0x22: {  	[simem:s7], [sflag:s8] =	dma.local @!p0 [hbm:s6], $0xF7A  }
0x23: {  	s9 =	sor.u32 $0xD0000000, s2;
	s6 =	simm.s32 $0x108;
	_ =	swait.ge @!p0 [sflag:s8], $0x0  }
0x24: {  	s3 =	sadd.s32 $0x88, s3;
	s6 =	simm.s32 @!p1 $0x1082;
	[sflag:s4] =	ssyncset.s32 $0xFFFFF086  }
0x25: {  	[simem:s6], [sflag:s4] =	dma.local [hbm:s3], $0xF7A  }
0x26: {  	[smem:$0x3F96] =	sst s1;
	(tag) =	ssettag s2;
	_ =	strace s9  }
0x27: {  	s1 =	sld [smem:$0x3FA6]  }
0x28: {  	s2 =	sld [smem:$0x3FA7]  }
0x29: {  	s4 =	sld [smem:$0x3FA9]  }
0x2a: {  	p0 =	seq.s32 s5, $0x0;
	s5 =	sld [smem:$0x3FAA]  }
0x2b: {  	s6 =	sld [smem:$0x3FAB]  }
0x2c: {  	s7 =	sld [smem:$0x3FAC]  }
0x2d: {  	s3 =	simm.s32 $0x108;
	s8 =	sld [smem:$0x3FAD]  }
0x2e: {  	s3 =	simm.s32 @!p0 $0x1082;
	s9 =	sld [smem:$0x3FAE]  }
0x2f: {  	lr =	sadd.s32 s0, s3;
	s0 =	sld [smem:$0x3FA5]  }
0x30: {  	s3 =	sld [smem:$0x3FA8]  }
0x31: {  	[smem:$0x3FB1] =	sst s10  }
0x32: {  	s10 =	sld [smem:$0x3FAF];
	_ =	sdelay $0x3  }
0x33: {  	p0 =	seq.s32 s10, $0x1;
	s10 =	sld [smem:$0x3FB1];
	_ =	sdelay $0x3  }
0x34: {  	[smem:$0x3FB1] =	sst s10  }
0x35: {  	s10 =	sld [smem:$0x3FB0];
	_ =	sdelay $0x3  }
0x36: {  	p1 =	seq.s32 s10, $0x1;
	s10 =	sld [smem:$0x3FB1];
	_ =	sdelay $0x3  }
0x37: {  	[smem:$0x3FB1] =	sst s10  }
0x38: {  	s10 =	sld [smem:$0x3FB2]  }
0x39: {  	_ = 	snop;
	(pc) =	sbr.ind lr, $3  }
0x3a: {  	_ = 	snop  }
0x3b: {  	_ = 	snop  }
0x3c: {  	p2 =	seq.s32 s10, $0x1;
	s10 =	sld [smem:$0x3FB1]  }
0x3d: {  	_ =	shalt  }
0x3e: {  	_ =	shalt  }
0x3f: {  	_ =	shalt  }
0x40: {  	_ =	shalt  }
0x41: {  	_ =	shalt  }
0x42: {  	_ =	shalt  }
0x43: {  	_ =	shalt  }
0x44: {  	_ =	shalt  }
0x45: {  	_ =	shalt  }
0x46: {  	_ =	shalt  }
0x47: {  	_ =	shalt  }
0x48: {  	_ =	shalt  }
0x49: {  	_ =	shalt  }
0x4a: {  	_ =	shalt  }
0x4b: {  	_ =	shalt  }
0x4c: {  	_ =	shalt  }
0x4d: {  	_ =	shalt  }
0x4e: {  	_ =	shalt  }
0x4f: {  	_ =	shalt  }
0x50: {  	_ =	shalt  }
0x51: {  	_ =	shalt  }
0x52: {  	_ =	shalt  }
0x53: {  	_ =	shalt  }
0x54: {  	_ =	shalt  }
0x55: {  	_ =	shalt  }
0x56: {  	_ =	shalt  }
0x57: {  	_ =	shalt  }
0x58: {  	_ =	shalt  }
0x59: {  	_ =	shalt  }
0x5a: {  	_ =	shalt  }
0x5b: {  	_ =	shalt  }
0x5c: {  	_ =	shalt  }
0x5d: {  	_ =	shalt  }
0x5e: {  	_ =	shalt  }
0x5f: {  	_ =	shalt  }
0x60: {  	_ =	shalt  }
0x61: {  	_ =	shalt  }
0x62: {  	_ =	shalt  }
0x63: {  	_ =	shalt  }
0x64: {  	_ =	shalt  }
0x65: {  	_ =	shalt  }
0x66: {  	_ =	shalt  }
0x67: {  	_ =	shalt  }
0x68: {  	_ =	shalt  }
0x69: {  	_ =	shalt  }
0x6a: {  	_ =	shalt  }
0x6b: {  	_ =	shalt  }
0x6c: {  	_ =	shalt  }
0x6d: {  	_ =	shalt  }
0x6e: {  	_ =	shalt  }
0x6f: {  	_ =	shalt  }
0x70: {  	_ =	shalt  }
0x71: {  	_ =	shalt  }
0x72: {  	_ =	shalt  }
0x73: {  	_ =	shalt  }
0x74: {  	_ =	shalt  }
0x75: {  	_ =	shalt  }
0x76: {  	_ =	shalt  }
0x77: {  	_ =	shalt  }
0x78: {  	_ =	shalt  }
0x79: {  	_ =	shalt  }
0x7a: {  	_ =	shalt  }
0x7b: {  	_ =	shalt  }
0x7c: {  	_ =	shalt  }
0x7d: {  	_ =	shalt  }
0x7e: {  	_ =	shalt  }
0x7f: {  	_ =	shalt  }
0x80: {  	_ =	shalt  }
0x81: {  	_ =	shalt  }
0x82: {  	_ =	shalt  }
0x83: {  	_ =	shalt  }
0x84: {  	_ =	shalt  }
0x85: {  	_ =	shalt  }
0x86: {  	_ =	shalt  }
0x87: {  	_ =	shalt  }
.Lfunc_end0:
.L_simem_size_0:
called_computation.2_lowered:
.L_overlay_start_0:
0x88: {  	s2 =	sld [smem:$0x3FD9]  }
0x89: {  	s3 =	sld [smem:$0x3FFE];
	_ =	sdelay $0x1  }
0x8a: {  	s1 =	srdreg.scid  }
0x8b: {  	s0 =	sand.u32 $0x1, s1  }
0x8c: {  	s16 =	sshll.u32 s0, $0xA;
	s2 =	sadd.s32 s3, s2  }
0x8d: {  	s2 =	sadd.s32 s2, s16  }
0x8e: {  	[smem:$0x3FBD] =	sst s2  }
0x8f: {  	_ = 	snop  }
0x90: {  	(tm) =	ssettm $0x1  }
0x91: {  	s17 =	sld [smem:$0x3FFB];
	_ =	sdelay $0x3  }
0x92: {  	_ =	strace s17  }
0x93: {  	s2 =	sld [smem:$0x3FFC];
	_ =	sdelay $0x3  }
0x94: {  	_ =	strace s2  }
0x95: {  	s2 =	sld [smem:$0x3FFD];
	_ =	sdelay $0x3  }
0x96: {  	_ =	strace s2  }
0x97: {  	_ =	strace $0x8FFFFFFF  }
0x98: {  	s18 =	sld [smem:$0x3FDB];
	_ =	sdelay $0x1  }
0x99: {  	s19 =	simm.s32 $_scs_section_size  }
0x9a: {  	s4 =	simm.s32 $_size__tile_overlayer_lowered;
	s5 =	simm.s32 $_tile_overlayer_lowered  }
0x9b: {  	s22 =	simm.s32 $0x1BFF;
	s21 =	sshll.u32 s5, $0x1;
	s2 =	sadd.s32 s19, s18  }
0x9c: {  	s6 =	simm.s32 $0x0;
	s20 =	sshll.u32 s4, $0x1;
	s4 =	sadd.s32 s21, s2  }
0x9d: {  	[timem:s6], [sflag:s22] =	dma.local [hbm:s4], s20  }
0x9e: {  	_ =	swait.ge [sflag:s22], s20  }
0x9f: {  	s3 =	ssub.s32 $0x0, s20;
	[sflag:s22] =	ssyncset.done $0x0  }
0xa0: {  	[sflag:s22] =	ssyncadd.s32 s3;
	_ =	sdelay $0x1  }
0xa1: {  	s23 =	simm.s32 $0x1B8B  }
0xa2: {  	_ =	swait.ge [sflag:s23], $0x1  }
0xa3: {  	[sflag:s23] =	ssyncset.done $0x0  }
0xa4: {  	s25 =	simm.s32 $0x1B8E;
	s24 =	sld [smem:$0x3FFE];
	[sflag:s23] =	ssyncadd.s32 $0xFFFFFFFF  }
0xa5: {  	s26 =	simm.s32 $execute0_lowered;
	[smem:$0x3FD2] =	sst s25  }
0xa6: {  	s4 =	sshll.u32 s26, $0x1;
	_ =	strace $0x8000004C;
	[dreg:$0x1] =	wrdreg $0xFFFFFFFF  }
0xa7: {  	s28 =	simm.s32 $_size_execute0_lowered;
	s2 =	sadd.s32 s2, s4;
	[dreg:$0x0] =	wrdreg $0x0  }
0xa8: {  	s4 =	sshll.u32 s28, $0x1;
	[dreg:$0x2] =	wrdreg s2  }
0xa9: {  	[dreg:$0x3] =	wrdreg s4  }
0xaa: {  	[dreg:$0x4] =	wrdreg $0xC0  }
0xab: {  	_ =	task [dreg:s6], $0x5FFFF  }
0xac: {  	[dreg:$0x1] =	wrdreg $0xFFFFFFFF  }
0xad: {  	[dreg:$0x0] =	wrdreg $0x60  }
0xae: {  	[dreg:$0x2] =	wrdreg s24  }
0xaf: {  	[dreg:$0x3] =	wrdreg $0xB9800  }
0xb0: {  	[dreg:$0x4] =	wrdreg $0x9  }
0xb1: {  	_ =	task.clear_ibuf [dreg:s6], $0x5FFFF;
	_ =	strace $0x9000004C  }
0xb2: {  	s29 =	simm.s32 $0x9;
	_ =	strace $0x8000004E  }
0xb3: {  	_ =	swait.ge [sflag:s29], $0x1  }
0xb4: {  	[sflag:s29] =	ssyncadd.s32 $0xFFFFFFFF  }
0xb5: {  	_ =	strace $0x9000004E  }
0xb6: {  	_ =	sfence  }
0xb7: {  	s30 =	sld [smem:$0x0];
	_ =	sdelay $0x2  }
0xb8: {  	s31 =	sshll.u32 s1, $0xD;
	s1 =	sshrl.u32 s1, $0x2  }
0xb9: {  	s3 =	sand.u32 $0x4000, s31;
	s1 =	sadd.s32 s1, s30  }
0xba: {  	s0 =	sor.u32 s3, s0;
	s1 =	sshll.u32 s1, $0x11  }
0xbb: {  	s0 =	sor.u32 s1, s0  }
0xbc: {  	s0 =	sadd.s32 $0x8F2B, s0  }
0xbd: {  	[sflag:s0] =	ssyncadd.remote.s32 $0x1  }
0xbe: {  	_ =	sfence.sel $0xFFFF  }
0xbf: {  	[dreg:$0x0] =	wrdreg $0xFFFFFFFF;
	(pc) =	sbr.abs _section_cstart, $3  }
0xc0: {  	[dreg:$0x1] =	wrdreg $0xFFFFFFFF  }
0xc1: {  	_ =	task.clear_ibuf [dreg:s6], $0x2FFFF;
	_ =	strace $0x9FFFFFFF  }
0xc2: {  	(tm) =	ssettm $0x7FFFFFFF  }
0xc3: {  	_ =	shalt  }
tec
execute0_lowered:
.L_overlay_start_1:
0x0: {  	(tag) =	ssettag $0x1  }
0x1: {  	s0 =	rddreg [dreg:$0x0]  }
0x2: {  	s1 =	rddreg [dreg:$0x1];
	s3 =	simm.s32 $0x0;
	s2 =	srdreg.scid  }
0x3: {  	s11 =	stileid.u32;
	s28 =	simm.s32 $0x6980;
	s29 =	simm.s32 $0x4  }
0x4: {  	s30 =	simm.s32 $0x3;
	s31 =	simm.s32 $0x9180;
	s7 =	smul.u32 $0x14000, s11  }
0x5: {  	[smem:$0x7FF] =	sst s3;
	s2 =	sand.u32 $0x1, s2;
	s14 =	smul.u32 $0x50000, s11  }
0x6: {  	s8 =	sadd.s32 $0x2C00, s0;
	s10 =	sadd.s32 $0x1D000, s0;
	s19 =	smul.u32 $0x2710, s11  }
0x7: {  	s26 =	sshll.u32 s11, $0x6;
	s4 =	sshll.u32 s2, $0x4;
	s5 =	smul.u32 $0x140000, s2  }
0x8: {  	_ =	strace $0x8000004D;
	[dreg:$0x3] =	wrdreg s10;
	s12 =	ssub.s32 $0x2, s2  }
0x9: {  	s2 =	smul.u32 $0x27100, s2;
	s6 =	sor.u32 s11, s4;
	s4 =	sadd.s32 $0x6F800, s0  }
0xa: {  	s13 =	sshrl.u32 s12, $0x1;
	s17 =	sshrl.u32 s14, $0x2;
	s9 =	sshll.u32 s6, $0xB  }
0xb: {  	s5 =	sadd.s32 s7, s5;
	s6 =	smul.u32 $0x2710, s6;
	s24 =	sadd.s32 s19, s2  }
0xc: {  	s19 =	simm.s32 $0x4000;
	s9 =	sadd.s32 s9, s0;
	s5 =	sshrl.u32 s5, $0x3  }
0xd: {  	s2 =	sadd.s32 $0x190, s24;
	s25 =	sadd.s32 $0x230, s24;
	s0 =	sadd.s32 s5, s0  }
0xe: {  	s5 =	ssub.s32 s12, s13;
	s15 =	sadd.s32 $0xCA00, s9;
	s6 =	sshrl.u32 s6, $0x3  }
0xf: {  	s2 =	sshrl.u32 s2, $0x3;
	s9 =	simm.s32 $0x0;
	[dreg:$0x4] =	wrdreg s15  }
0x10: {  	s16 =	sadd.s32 s8, s6;
	s6 =	sadd.s32 s17, s1;
	s0 =	sadd.s32 $0x96A00, s0  }
0x11: {  	s20 =	smax.u32 s5, $0x1;
	s5 =	sshrl.u32 s25, $0x3;
	[dreg:$0x7] =	wrdreg s6  }
0x12: {  	s2 =	sadd.s32 s2, s8;
	s25 =	simm.s32 $0x4100;
	[dreg:$0x8] =	wrdreg s0  }
0x13: {  	s18 =	sadd.s32 $0xA, s16;
	[dreg:$0x9] =	wrdreg s20;
	s21 =	sadd.s32 $0x14, s16  }
0x14: {  	s22 =	sadd.s32 $0x1E, s16;
	[dreg:$0x5] =	wrdreg s16;
	s23 =	sadd.s32 $0x28, s16  }
0x15: {  	s0 =	sadd.s32 $0x1E0, s24;
	[dreg:$0xd] =	wrdreg s2;
	s16 =	sadd.s32 s5, s8  }
0x16: {  	s20 =	simm.s32 $0x4080;
	s24 =	sor.u32 $0x1C0A, s26;
	[dreg:$0x6] =	wrdreg s18  }
0x17: {  	s26 =	simm.s32 $0x2;
	s2 =	simm.s32 $0x7;
	[dreg:$0xa] =	wrdreg s21  }
0x18: {  	s5 =	simm.s32 $0x6;
	s6 =	simm.s32 $0x8;
	[dreg:$0xb] =	wrdreg s22  }
0x19: {  	[dreg:$0xc] =	wrdreg s23;
	s0 =	sshrl.u32 s0, $0x3;
	s18 =	simm.s32 $0xA  }
0x1a: {  	s21 =	simm.s32 $0x1;
	s22 =	simm.s32 $0x50;
	s23 =	simm.s32 $0x4180  }
0x1b: {  	s17 =	sadd.s32 s0, s8;
	s0 =	simm.s32 $0x5;
	s8 =	simm.s32 $0x9  }
.LBB2_1:
0x1c: {  	s7 =	rddreg [dreg:$0x4]  }
0x1d: {  	[tilespmem:s3], [sflag:$0xA] =	stream.linear.gather [hbm4b:s7+s3], $0x3E80, $0x38;
	[tilespmem:$0x1F980] =	vst v63  }
0x1e: {  	_ =	swait.ge [sflag:s18], $0x3E80  }
0x1f: {  	[sflag:s18] =	ssyncset.done $0x0  }
0x20: {  	s15 =	rddreg [dreg:$0x5];
	[sflag:s18] =	ssyncadd.s32 $0xFFFFC180  }
0x21: {  	[tilespmem:s19], [sflag:$0x1] =	stream.linear.gather [hbm4b:s15+s3], $0x50, $0x38;
	[tilespmem:$0x1F980] =	vst v63  }
0x22: {  	s10 =	rddreg [dreg:$0x6]  }
0x23: {  	[tilespmem:s20], [sflag:$0x2] =	stream.linear.gather [hbm4b:s10+s3], $0x50, $0x38;
	[tilespmem:$0x1F980] =	vst v63  }
0x24: {  	_ =	swait.ge [sflag:s21], $0x50  }
0x25: {  	[sflag:s21] =	ssyncset.done $0x0;
	s11 =	rddreg [dreg:$0x7]  }
0x26: {  	s12 =	rddreg [dreg:$0x3];
	[sflag:s21] =	ssyncadd.s32 $0xFFFFFFB0;
	s10 =	sshrl.u32 s11, $0x3  }
0x27: {  	[tilespmem:s23], [sflag:$0x4] =	stream.indirect.gather [hbm4b:s4+s22], $0x80, s19, s22, $0xb8;
	[tilespmem:$0x1F980] =	vst v63  }
0x28: {  	[spmem:s10], [sflag:s24] =	dma.local [hbm:s12], $0x2800  }
0x29: {  	_ =	swait.ge [sflag:s18], $0x2800  }
0x2a: {  	[sflag:s18] =	ssyncset.done $0x0  }
0x2b: {  	[sflag:s18] =	ssyncadd.s32 $0xFFFFD800  }
0x2c: {  	[bflag:$0x0] =	sbarrier.arrive $0xFFFF  }
0x2d: {  	s13 =	rddreg [dreg:$0xa]  }
0x2e: {  	[tilespmem:s25], [sflag:$0x3] =	stream.linear.gather [hbm4b:s13+s3], $0x50, $0x38;
	[tilespmem:$0x1F980] =	vst v63  }
0x2f: {  	_ =	swait.ge [sflag:s26], $0x50  }
0x30: {  	[sflag:s26] =	ssyncset.done $0x0  }
0x31: {  	[sflag:s26] =	ssyncadd.s32 $0xFFFFFFB0  }
0x32: {  	[tilespmem:s28], [sflag:$0x5] =	stream.indirect.gather [hbm4b:s4+s22], $0x80, s20, s22, $0xb8;
	[tilespmem:$0x1F980] =	vst v63  }
0x33: {  	_ =	swait.ge [sflag:s29], $0x2800  }
0x34: {  	[sflag:s29] =	ssyncset.done $0x0  }
0x35: {  	[sflag:s29] =	ssyncadd.s32 $0xFFFFD800  }
0x36: {  	[spmem:s1] =	stream.indirect.scatter.add.f32 [tilespmem:s23], [sflag:$0x7], $0x80, s3, s22, $0xb8;
	[tilespmem:$0x1F980] =	vst v63  }
0x37: {  	s14 =	rddreg [dreg:$0xb]  }
0x38: {  	[tilespmem:s19], [sflag:$0x1] =	stream.linear.gather [hbm4b:s14+s3], $0x50, $0x38;
	[tilespmem:$0x1F980] =	vst v63  }
0x39: {  	_ =	swait.ge [sflag:s30], $0x50  }
0x3a: {  	[sflag:s30] =	ssyncset.done $0x0  }
0x3b: {  	[sflag:s30] =	ssyncadd.s32 $0xFFFFFFB0  }
0x3c: {  	[tilespmem:s31], [sflag:$0x6] =	stream.indirect.gather [hbm4b:s4+s22], $0x80, s25, s22, $0xb8;
	[tilespmem:$0x1F980] =	vst v63  }
0x3d: {  	_ =	swait.ge [sflag:s0], $0x2800  }
0x3e: {  	[sflag:s0] =	ssyncset.done $0x0  }
0x3f: {  	s15 =	simm.s32 $0x80;
	[sflag:s0] =	ssyncadd.s32 $0xFFFFD800  }
0x40: {  	[spmem:s1] =	stream.indirect.scatter.add.f32 [tilespmem:s28], [sflag:$0x8], $0x80, s15, s22, $0xb8;
	[tilespmem:$0x1F980] =	vst v63  }
0x41: {  	s11 =	rddreg [dreg:$0xc]  }
0x42: {  	[tilespmem:s20], [sflag:$0x2] =	stream.linear.gather [hbm4b:s11+s3], $0x50, $0x38;
	[tilespmem:$0x1F980] =	vst v63  }
0x43: {  	_ =	swait.ge [sflag:s2], $0x2800  }
0x44: {  	[sflag:s2] =	ssyncset.done $0x0  }
0x45: {  	[sflag:s2] =	ssyncadd.s32 $0xFFFFD800  }
0x46: {  	_ =	swait.ge [sflag:s21], $0x50  }
0x47: {  	[sflag:s21] =	ssyncset.done $0x0  }
0x48: {  	[sflag:s21] =	ssyncadd.s32 $0xFFFFFFB0  }
0x49: {  	[tilespmem:s23], [sflag:$0x4] =	stream.indirect.gather [hbm4b:s4+s22], $0x80, s19, s22, $0xb8;
	[tilespmem:$0x1F980] =	vst v63  }
0x4a: {  	_ =	swait.ge [sflag:s5], $0x2800  }
0x4b: {  	[sflag:s5] =	ssyncset.done $0x0  }
0x4c: {  	s12 =	simm.s32 $0x100;
	[sflag:s5] =	ssyncadd.s32 $0xFFFFD800  }
0x4d: {  	[spmem:s1] =	stream.indirect.scatter.add.f32 [tilespmem:s31], [sflag:$0x9], $0x80, s12, s22, $0xb8;
	[tilespmem:$0x1F980] =	vst v63  }
0x4e: {  	s14 =	rddreg [dreg:$0xd]  }
0x4f: {  	[tilespmem:s25], [sflag:$0x3] =	stream.linear.gather [hbm4b:s14+s3], $0x50, $0x38;
	[tilespmem:$0x1F980] =	vst v63  }
0x50: {  	_ =	swait.ge [sflag:s6], $0x2800  }
0x51: {  	[sflag:s6] =	ssyncset.done $0x0  }
0x52: {  	[sflag:s6] =	ssyncadd.s32 $0xFFFFD800  }
0x53: {  	_ =	swait.ge [sflag:s26], $0x50  }
0x54: {  	[sflag:s26] =	ssyncset.done $0x0  }
0x55: {  	[sflag:s26] =	ssyncadd.s32 $0xFFFFFFB0  }
0x56: {  	[tilespmem:s28], [sflag:$0x5] =	stream.indirect.gather [hbm4b:s4+s22], $0x80, s20, s22, $0xb8;
	[tilespmem:$0x1F980] =	vst v63  }
0x57: {  	_ =	swait.ge [sflag:s29], $0x2800  }
0x58: {  	[sflag:s29] =	ssyncset.done $0x0  }
0x59: {  	s13 =	simm.s32 $0x180;
	[sflag:s29] =	ssyncadd.s32 $0xFFFFD800  }
0x5a: {  	[spmem:s1] =	stream.indirect.scatter.add.f32 [tilespmem:s23], [sflag:$0x7], $0x80, s13, s22, $0xb8;
	[tilespmem:$0x1F980] =	vst v63  }
0x5b: {  	_ = 	snop  }
0x5c: {  	[tilespmem:s19], [sflag:$0x1] =	stream.linear.gather [hbm4b:s17+s3], $0x50, $0x38;
	[tilespmem:$0x1F980] =	vst v63  }
0x5d: {  	_ =	swait.ge [sflag:s8], $0x2800  }
0x5e: {  	[sflag:s8] =	ssyncset.done $0x0  }
0x5f: {  	[sflag:s8] =	ssyncadd.s32 $0xFFFFD800  }
0x60: {  	_ =	swait.ge [sflag:s30], $0x50  }
0x61: {  	[sflag:s30] =	ssyncset.done $0x0  }
0x62: {  	[sflag:s30] =	ssyncadd.s32 $0xFFFFFFB0  }
0x63: {  	[tilespmem:s31], [sflag:$0x6] =	stream.indirect.gather [hbm4b:s4+s22], $0x80, s25, s22, $0xb8;
	[tilespmem:$0x1F980] =	vst v63  }
0x64: {  	_ =	swait.ge [sflag:s0], $0x2800  }
0x65: {  	[sflag:s0] =	ssyncset.done $0x0  }
0x66: {  	s15 =	simm.s32 $0x200;
	[sflag:s0] =	ssyncadd.s32 $0xFFFFD800  }
0x67: {  	[spmem:s1] =	stream.indirect.scatter.add.f32 [tilespmem:s28], [sflag:$0x8], $0x80, s15, s22, $0xb8;
	[tilespmem:$0x1F980] =	vst v63  }
0x68: {  	_ = 	snop  }
0x69: {  	[tilespmem:s20], [sflag:$0x2] =	stream.linear.gather [hbm4b:s16+s3], $0x50, $0x38;
	[tilespmem:$0x1F980] =	vst v63  }
0x6a: {  	_ =	swait.ge [sflag:s2], $0x2800  }
0x6b: {  	[sflag:s2] =	ssyncset.done $0x0  }
0x6c: {  	[sflag:s2] =	ssyncadd.s32 $0xFFFFD800  }
0x6d: {  	_ =	swait.ge [sflag:s21], $0x50  }
0x6e: {  	[sflag:s21] =	ssyncset.done $0x0  }
0x6f: {  	[sflag:s21] =	ssyncadd.s32 $0xFFFFFFB0  }
0x70: {  	[tilespmem:s23], [sflag:$0x4] =	stream.indirect.gather [hbm4b:s4+s22], $0x80, s19, s22, $0xb8;
	[tilespmem:$0x1F980] =	vst v63  }
0x71: {  	s7 =	simm.s32 $0x280;
	_ =	swait.ge [sflag:s5], $0x2800  }
0x72: {  	s11 =	simm.s32 $0x600;
	s12 =	sadd.s32 $0x1E, s16;
	[sflag:s5] =	ssyncset.done $0x0  }
0x73: {  	s14 =	sadd.s32 $0x1E, s14;
	s13 =	sadd.s32 $0x1E, s17;
	[sflag:s5] =	ssyncadd.s32 $0xFFFFD800  }
.LBB2_2:
0x74: {  	[spmem:s1] =	stream.indirect.scatter.add.f32 [tilespmem:s31], [sflag:$0x9], $0x80, s7, s22, $0xb8;
	[tilespmem:$0x1F980] =	vst v63  }
0x75: {  	p0 =	sne.s32 s11, $0xEA00;
	s7 =	smov.u32 s11;
	s11 =	sadd.s32 $0x600, s11  }
0x76: {  	[tilespmem:s25], [sflag:$0x3] =	stream.linear.gather [hbm4b:s14+s3], $0x50, $0x38;
	[tilespmem:$0x1F980] =	vst v63  }
0x77: {  	_ =	swait.ge [sflag:s6], $0x2800  }
0x78: {  	[sflag:s6] =	ssyncset.done $0x0  }
0x79: {  	[sflag:s6] =	ssyncadd.s32 $0xFFFFD800  }
0x7a: {  	_ =	swait.ge [sflag:s26], $0x50  }
0x7b: {  	[sflag:s26] =	ssyncset.done $0x0  }
0x7c: {  	[sflag:s26] =	ssyncadd.s32 $0xFFFFFFB0  }
0x7d: {  	[tilespmem:s28], [sflag:$0x5] =	stream.indirect.gather [hbm4b:s4+s22], $0x80, s20, s22, $0xb8;
	[tilespmem:$0x1F980] =	vst v63  }
0x7e: {  	_ =	swait.ge [sflag:s29], $0x2800  }
0x7f: {  	s7 =	sshra.s32 s7, $0x2;
	[sflag:s29] =	ssyncset.done $0x0  }
0x80: {  	s15 =	sadd.s32 $0x180, s7;
	[sflag:s29] =	ssyncadd.s32 $0xFFFFD800  }
0x81: {  	[spmem:s1] =	stream.indirect.scatter.add.f32 [tilespmem:s23], [sflag:$0x7], $0x80, s15, s22, $0xb8;
	[tilespmem:$0x1F980] =	vst v63  }
0x82: {  	_ = 	snop  }
0x83: {  	[tilespmem:s19], [sflag:$0x1] =	stream.linear.gather [hbm4b:s13+s3], $0x50, $0x38;
	[tilespmem:$0x1F980] =	vst v63  }
0x84: {  	_ =	swait.ge [sflag:s8], $0x2800  }
0x85: {  	[sflag:s8] =	ssyncset.done $0x0  }
0x86: {  	[sflag:s8] =	ssyncadd.s32 $0xFFFFD800  }
0x87: {  	_ =	swait.ge [sflag:s30], $0x50  }
0x88: {  	[sflag:s30] =	ssyncset.done $0x0  }
0x89: {  	[sflag:s30] =	ssyncadd.s32 $0xFFFFFFB0  }
0x8a: {  	[tilespmem:s31], [sflag:$0x6] =	stream.indirect.gather [hbm4b:s4+s22], $0x80, s25, s22, $0xb8;
	[tilespmem:$0x1F980] =	vst v63  }
0x8b: {  	_ =	swait.ge [sflag:s0], $0x2800  }
0x8c: {  	[sflag:s0] =	ssyncset.done $0x0  }
0x8d: {  	s15 =	sadd.s32 $0x200, s7;
	[sflag:s0] =	ssyncadd.s32 $0xFFFFD800  }
0x8e: {  	[spmem:s1] =	stream.indirect.scatter.add.f32 [tilespmem:s28], [sflag:$0x8], $0x80, s15, s22, $0xb8;
	[tilespmem:$0x1F980] =	vst v63  }
0x8f: {  	_ = 	snop  }
0x90: {  	[tilespmem:s20], [sflag:$0x2] =	stream.linear.gather [hbm4b:s12+s3], $0x50, $0x38;
	[tilespmem:$0x1F980] =	vst v63  }
0x91: {  	_ =	swait.ge [sflag:s2], $0x2800  }
0x92: {  	[sflag:s2] =	ssyncset.done $0x0  }
0x93: {  	[sflag:s2] =	ssyncadd.s32 $0xFFFFD800  }
0x94: {  	_ =	swait.ge [sflag:s21], $0x50  }
0x95: {  	[sflag:s21] =	ssyncset.done $0x0  }
.Ltmp0:
0x96: {  	[sflag:s21] =	ssyncadd.s32 $0xFFFFFFB0;
	(pc) =	sbr.rel @p0 .LBB2_2-.Ltmp0, $4  }
0x97: {  	[tilespmem:s23], [sflag:$0x4] =	stream.indirect.gather [hbm4b:s4+s22], $0x80, s19, s22, $0xb8;
	[tilespmem:$0x1F980] =	vst v63  }
0x98: {  	_ =	swait.ge [sflag:s5], $0x2800  }
0x99: {  	s13 =	sadd.s32 $0x1E, s13;
	s12 =	sadd.s32 $0x1E, s12;
	[sflag:s5] =	ssyncset.done $0x0  }
0x9a: {  	s14 =	sadd.s32 $0x1E, s14;
	s7 =	sadd.s32 $0x280, s7;
	[sflag:s5] =	ssyncadd.s32 $0xFFFFD800  }
0x9b: {  	[spmem:s1] =	stream.indirect.scatter.add.f32 [tilespmem:s31], [sflag:$0x9], $0x80, s7, s22, $0xb8;
	[tilespmem:$0x1F980] =	vst v63  }
0x9c: {  	_ =	swait.ge [sflag:s6], $0x2800  }
0x9d: {  	[sflag:s6] =	ssyncset.done $0x0  }
0x9e: {  	[sflag:s6] =	ssyncadd.s32 $0xFFFFD800  }
0x9f: {  	_ =	swait.ge [sflag:s26], $0x50  }
0xa0: {  	[sflag:s26] =	ssyncset.done $0x0  }
0xa1: {  	[sflag:s26] =	ssyncadd.s32 $0xFFFFFFB0  }
0xa2: {  	[tilespmem:s28], [sflag:$0x5] =	stream.indirect.gather [hbm4b:s4+s22], $0x80, s20, s22, $0xb8;
	[tilespmem:$0x1F980] =	vst v63  }
0xa3: {  	_ =	swait.ge [sflag:s29], $0x2800  }
0xa4: {  	[sflag:s29] =	ssyncset.done $0x0  }
0xa5: {  	s12 =	simm.s32 $0x3D80;
	[sflag:s29] =	ssyncadd.s32 $0xFFFFD800  }
0xa6: {  	[spmem:s1] =	stream.indirect.scatter.add.f32 [tilespmem:s23], [sflag:$0x7], $0x80, s12, s22, $0xb8;
	[tilespmem:$0x1F980] =	vst v63  }
0xa7: {  	_ =	swait.ge [sflag:s8], $0x2800  }
0xa8: {  	[sflag:s8] =	ssyncset.done $0x0  }
0xa9: {  	[sflag:s8] =	ssyncadd.s32 $0xFFFFD800  }
0xaa: {  	_ =	swait.ge [sflag:s0], $0x2800  }
0xab: {  	[sflag:s0] =	ssyncset.done $0x0  }
0xac: {  	s13 =	simm.s32 $0x3E00;
	[sflag:s0] =	ssyncadd.s32 $0xFFFFD800  }
0xad: {  	[spmem:s1] =	stream.indirect.scatter.add.f32 [tilespmem:s28], [sflag:$0x8], $0x80, s13, s22, $0xb8;
	[tilespmem:$0x1F980] =	vst v63  }
0xae: {  	_ =	swait.ge [sflag:s2], $0x2800  }
0xaf: {  	[sflag:s2] =	ssyncset.done $0x0  }
0xb0: {  	[sflag:s2] =	ssyncadd.s32 $0xFFFFD800  }
0xb1: {  	_ =	swait.ge [sflag:s6], $0x2800  }
0xb2: {  	[sflag:s6] =	ssyncset.done $0x0  }
0xb3: {  	[sflag:s6] =	ssyncadd.s32 $0xFFFFD800  }
0xb4: {  	[bflag:$0x0] =	sbarrier.arrive $0xFFFF  }
0xb5: {  	s14 =	rddreg [dreg:$0x8]  }
0xb6: {  	[hbm:s14], [sflag:s24] =	dma.local [spmem:s10], $0x2800  }
0xb7: {  	_ =	swait.ge [sflag:s18], $0x2800  }
0xb8: {  	s9 =	sadd.s32 $0x1, s9;
	s15 =	rddreg [dreg:$0x9]  }
0xb9: {  	p0 =	sne.s32 s9, s15  }
.Ltmp1:
0xba: {  	_ = 	snop;
	(pc) =	sbr.rel @p0 .LBB2_1-.Ltmp1, $3  }
0xbb: {  	_ =	sdelay $0x1  }
0xbc: {  	[sflag:s18] =	ssyncset.done $0x0  }
0xbd: {  	[sflag:s18] =	ssyncadd.s32 $0xFFFFD800  }
0xbe: {  	_ =	sfence.sel $0x180000  }
0xbf: {  	[bflag:$0x0] =	sbarrier.arrive $0xFFFF  }
0xc0: {  	_ =	strace $0x9000004D  }
0xc1: {  	s0 =	stileid.u32;
	[bflag:$0x2] =	sbarrier.arrive $0xFFFF  }
0xc2: {  	p0 =	sne.s32 s0, $0x0;
	s0 =	rddreg [dreg:$0x2]  }
0xc3: {  	s0 =	sadd.s32 @!p0 $0x100000, s0  }
0xc4: {  	[sflag:s0] =	ssyncadd.tile.s32 @!p0 $0x1;
	_ =	shalt  }
.Lfunc_end2:
_tile_overlayer_lowered:
.L_overlay_start_2:
0xc5: {  	(tag) =	ssettag $0x2  }
0xc6: {  	s0 =	rddreg [dreg:$0x0];
	s2 =	stileid.u32  }
0xc7: {  	s1 =	rddreg [dreg:$0x1];
	p0 =	sne.s32 s2, $0x0  }
0xc8: {  	s3 =	rddreg [dreg:$0x2];
	[bflag:$0x3] =	sbarrier.arrive $0xFFFF;
	s2 =	simm.s32 @!p0 $0x1C0A  }
0xc9: {  	[timem:s3], [sflag:s2] =	dma.local @!p0 [hbm:s0], s1  }
0xca: {  	s0 =	simm.s32 @!p0 $0xA  }
0xcb: {  	_ =	swait.ge @!p0 [sflag:s0], s1  }
0xcc: {  	s1 =	ssub.s32 @!p0 $0x0, s1;
	[sflag:s0] =	ssyncset.done @!p0 $0x0  }
0xcd: {  	[sflag:s0] =	ssyncadd.s32 @!p0 s1  }
0xce: {  	[bflag:$0x3] =	sbarrier.arrive $0xFFFF  }
0xcf: {  	_ =	shalt  }

// kernel: kernel.9.cloned.1.call-start
scs
__scs_entry_jumppad:
0x0: {  	(pc) =	sbr.rel $0x88, $3  }
0x1: {  	(tag) =	ssettag $0x0;
	lr =	simm.s32 $0x1  }
0x2: {  	[smem:$0x3F96] =	sst lr;
	_ =	strace $0xD0000000  }
0x3: {  	_ = 	snop  }
0x4: {  	_ = 	snop  }
0x5: {  	_ = 	snop  }
0x6: {  	_ = 	snop  }
0x7: {  	_ = 	snop  }
__scs_overlays_trampoline_lowered:
0x8: {  	[smem:$0x3FA5] =	sst s0  }
0x9: {  	[smem:$0x3FA6] =	sst s1  }
0xa: {  	[smem:$0x3FA7] =	sst s2  }
0xb: {  	[smem:$0x3FA8] =	sst s3  }
0xc: {  	[smem:$0x3FA9] =	sst s4  }
0xd: {  	[smem:$0x3FAA] =	sst s5  }
0xe: {  	[smem:$0x3FAB] =	sst s6  }
0xf: {  	[smem:$0x3FAC] =	sst s7  }
0x10: {  	[smem:$0x3FAD] =	sst s8  }
0x11: {  	[smem:$0x3FAE] =	sst s9;
	s0 =	simm.s32 @!p0 $0x0  }
0x12: {  	s1 =	sld [smem:$0x3F94];
	s0 =	simm.s32 @p0 $0x1  }
0x13: {  	[smem:$0x3FAF] =	sst s0;
	s0 =	simm.s32 @!p1 $0x0  }
0x14: {  	s2 =	sld [smem:$0x3F93];
	s0 =	simm.s32 @p1 $0x1  }
0x15: {  	[smem:$0x3FB0] =	sst s0;
	s0 =	simm.s32 @!p2 $0x0  }
0x16: {  	s3 =	sld [smem:$0x3FDB];
	s0 =	simm.s32 @p2 $0x1  }
0x17: {  	s4 =	simm.s32 $0x1BF5;
	[smem:$0x3FB2] =	sst s0  }
0x18: {  	s0 =	sld [smem:$0x3F95];
	_ =	swait.ge [sflag:s4], $0x0  }
0x19: {  	s7 =	sld [smem:$0x3F96]  }
0x1a: {  	s8 =	sadd.s32 $0xFFFFE003, lr  }
0x1b: {  	s9 =	sadd.s32 $0xFFFFFEF7, lr;
	s5 =	simm.s32 $0xFFFFFFFF;
	p2 =	slt.u32 s8, $0xFFFFF086  }
0x1c: {  	p1 =	slt.u32 s9, $0xF7A;
	s5 =	simm.s32 @!p2 $0x0  }
0x1d: {  	s5 =	simm.s32 @p1 $0x1;
	p0 =	seq.s32 s7, s2  }
0x1e: {  	s7 =	smul.u32 @!p0 $0xF7A, s2;
	p2 =	seq.s32 @!p0 s5, $0x0  }
0x1f: {  	s9 =	smul.u32 $0xF7A, s1;
	s8 =	simm.s32 @!p0 $0x1BF5;
	p2 =	por !p2, p0  }
0x20: {  	[sflag:s8] =	ssyncset.s32 @!p0 $0xFFFFF086;
	s6 =	sadd.s32 @!p0 s3, s7;
	s7 =	simm.s32 @!p0 $0x108  }
0x21: {  	s3 =	sadd.s32 s3, s9;
	s6 =	sadd.s32 @!p0 $0x88, s6;
	s7 =	simm.s32 @p2 $0x1082  }
0x22: {  	[simem:s7], [sflag:s8] =	dma.local @!p0 [hbm:s6], $0xF7A  }
0x23: {  	s9 =	sor.u32 $0xD0000000, s2;
	s6 =	simm.s32 $0x108;
	_ =	swait.ge @!p0 [sflag:s8], $0x0  }
0x24: {  	s3 =	sadd.s32 $0x88, s3;
	s6 =	simm.s32 @!p1 $0x1082;
	[sflag:s4] =	ssyncset.s32 $0xFFFFF086  }
0x25: {  	[simem:s6], [sflag:s4] =	dma.local [hbm:s3], $0xF7A  }
0x26: {  	[smem:$0x3F96] =	sst s1;
	(tag) =	ssettag s2;
	_ =	strace s9  }
0x27: {  	s1 =	sld [smem:$0x3FA6]  }
0x28: {  	s2 =	sld [smem:$0x3FA7]  }
0x29: {  	s4 =	sld [smem:$0x3FA9]  }
0x2a: {  	p0 =	seq.s32 s5, $0x0;
	s5 =	sld [smem:$0x3FAA]  }
0x2b: {  	s6 =	sld [smem:$0x3FAB]  }
0x2c: {  	s7 =	sld [smem:$0x3FAC]  }
0x2d: {  	s3 =	simm.s32 $0x108;
	s8 =	sld [smem:$0x3FAD]  }
0x2e: {  	s3 =	simm.s32 @!p0 $0x1082;
	s9 =	sld [smem:$0x3FAE]  }
0x2f: {  	lr =	sadd.s32 s0, s3;
	s0 =	sld [smem:$0x3FA5]  }
0x30: {  	s3 =	sld [smem:$0x3FA8]  }
0x31: {  	[smem:$0x3FB1] =	sst s10  }
0x32: {  	s10 =	sld [smem:$0x3FAF];
	_ =	sdelay $0x3  }
0x33: {  	p0 =	seq.s32 s10, $0x1;
	s10 =	sld [smem:$0x3FB1];
	_ =	sdelay $0x3  }
0x34: {  	[smem:$0x3FB1] =	sst s10  }
0x35: {  	s10 =	sld [smem:$0x3FB0];
	_ =	sdelay $0x3  }
0x36: {  	p1 =	seq.s32 s10, $0x1;
	s10 =	sld [smem:$0x3FB1];
	_ =	sdelay $0x3  }
0x37: {  	[smem:$0x3FB1] =	sst s10  }
0x38: {  	s10 =	sld [smem:$0x3FB2]  }
0x39: {  	_ = 	snop;
	(pc) =	sbr.ind lr, $3  }
0x3a: {  	_ = 	snop  }
0x3b: {  	_ = 	snop  }
0x3c: {  	p2 =	seq.s32 s10, $0x1;
	s10 =	sld [smem:$0x3FB1]  }
0x3d: {  	_ =	shalt  }
0x3e: {  	_ =	shalt  }
0x3f: {  	_ =	shalt  }
0x40: {  	_ =	shalt  }
0x41: {  	_ =	shalt  }
0x42: {  	_ =	shalt  }
0x43: {  	_ =	shalt  }
0x44: {  	_ =	shalt  }
0x45: {  	_ =	shalt  }
0x46: {  	_ =	shalt  }
0x47: {  	_ =	shalt  }
0x48: {  	_ =	shalt  }
0x49: {  	_ =	shalt  }
0x4a: {  	_ =	shalt  }
0x4b: {  	_ =	shalt  }
0x4c: {  	_ =	shalt  }
0x4d: {  	_ =	shalt  }
0x4e: {  	_ =	shalt  }
0x4f: {  	_ =	shalt  }
0x50: {  	_ =	shalt  }
0x51: {  	_ =	shalt  }
0x52: {  	_ =	shalt  }
0x53: {  	_ =	shalt  }
0x54: {  	_ =	shalt  }
0x55: {  	_ =	shalt  }
0x56: {  	_ =	shalt  }
0x57: {  	_ =	shalt  }
0x58: {  	_ =	shalt  }
0x59: {  	_ =	shalt  }
0x5a: {  	_ =	shalt  }
0x5b: {  	_ =	shalt  }
0x5c: {  	_ =	shalt  }
0x5d: {  	_ =	shalt  }
0x5e: {  	_ =	shalt  }
0x5f: {  	_ =	shalt  }
0x60: {  	_ =	shalt  }
0x61: {  	_ =	shalt  }
0x62: {  	_ =	shalt  }
0x63: {  	_ =	shalt  }
0x64: {  	_ =	shalt  }
0x65: {  	_ =	shalt  }
0x66: {  	_ =	shalt  }
0x67: {  	_ =	shalt  }
0x68: {  	_ =	shalt  }
0x69: {  	_ =	shalt  }
0x6a: {  	_ =	shalt  }
0x6b: {  	_ =	shalt  }
0x6c: {  	_ =	shalt  }
0x6d: {  	_ =	shalt  }
0x6e: {  	_ =	shalt  }
0x6f: {  	_ =	shalt  }
0x70: {  	_ =	shalt  }
0x71: {  	_ =	shalt  }
0x72: {  	_ =	shalt  }
0x73: {  	_ =	shalt  }
0x74: {  	_ =	shalt  }
0x75: {  	_ =	shalt  }
0x76: {  	_ =	shalt  }
0x77: {  	_ =	shalt  }
0x78: {  	_ =	shalt  }
0x79: {  	_ =	shalt  }
0x7a: {  	_ =	shalt  }
0x7b: {  	_ =	shalt  }
0x7c: {  	_ =	shalt  }
0x7d: {  	_ =	shalt  }
0x7e: {  	_ =	shalt  }
0x7f: {  	_ =	shalt  }
0x80: {  	_ =	shalt  }
0x81: {  	_ =	shalt  }
0x82: {  	_ =	shalt  }
0x83: {  	_ =	shalt  }
0x84: {  	_ =	shalt  }
0x85: {  	_ =	shalt  }
0x86: {  	_ =	shalt  }
0x87: {  	_ =	shalt  }
.Lfunc_end0:
.L_simem_size_0:
called_computation_lowered:
.L_overlay_start_0:
0x88: {  	s2 =	sld [smem:$0x3FD9]  }
0x89: {  	s3 =	sld [smem:$0x3FFE];
	_ =	sdelay $0x1  }
0x8a: {  	s1 =	srdreg.scid  }
0x8b: {  	s0 =	sand.u32 $0x1, s1  }
0x8c: {  	s16 =	sshll.u32 s0, $0xA;
	s2 =	sadd.s32 s3, s2  }
0x8d: {  	s2 =	sadd.s32 s2, s16  }
0x8e: {  	[smem:$0x3FBD] =	sst s2  }
0x8f: {  	_ = 	snop  }
0x90: {  	(tm) =	ssettm $0x1  }
0x91: {  	s17 =	sld [smem:$0x3FFB];
	_ =	sdelay $0x3  }
0x92: {  	_ =	strace s17  }
0x93: {  	s2 =	sld [smem:$0x3FFC];
	_ =	sdelay $0x3  }
0x94: {  	_ =	strace s2  }
0x95: {  	s2 =	sld [smem:$0x3FFD];
	_ =	sdelay $0x3  }
0x96: {  	_ =	strace s2  }
0x97: {  	_ =	strace $0x8FFFFFFF  }
0x98: {  	s18 =	sld [smem:$0x3FDB];
	_ =	sdelay $0x1  }
0x99: {  	s19 =	simm.s32 $_scs_section_size  }
0x9a: {  	s4 =	simm.s32 $_size__tile_overlayer_lowered;
	s5 =	simm.s32 $_tile_overlayer_lowered  }
0x9b: {  	s22 =	simm.s32 $0x1BFF;
	s21 =	sshll.u32 s5, $0x1;
	s2 =	sadd.s32 s19, s18  }
0x9c: {  	s6 =	simm.s32 $0x0;
	s20 =	sshll.u32 s4, $0x1;
	s4 =	sadd.s32 s21, s2  }
0x9d: {  	[timem:s6], [sflag:s22] =	dma.local [hbm:s4], s20  }
0x9e: {  	_ =	swait.ge [sflag:s22], s20  }
0x9f: {  	s3 =	ssub.s32 $0x0, s20;
	[sflag:s22] =	ssyncset.done $0x0  }
0xa0: {  	[sflag:s22] =	ssyncadd.s32 s3;
	_ =	sdelay $0x1  }
0xa1: {  	s23 =	simm.s32 $0x1B8B  }
0xa2: {  	_ =	swait.ge [sflag:s23], $0x1  }
0xa3: {  	[sflag:s23] =	ssyncset.done $0x0  }
0xa4: {  	s25 =	simm.s32 $0x1B8E;
	s24 =	sld [smem:$0x3FFE];
	[sflag:s23] =	ssyncadd.s32 $0xFFFFFFFF  }
0xa5: {  	s26 =	simm.s32 $execute0_lowered;
	[smem:$0x3FD2] =	sst s25  }
0xa6: {  	s4 =	sshll.u32 s26, $0x1;
	_ =	strace $0x80000046;
	[dreg:$0x1] =	wrdreg $0xFFFFFFFF  }
0xa7: {  	s28 =	simm.s32 $_size_execute0_lowered;
	s2 =	sadd.s32 s2, s4;
	[dreg:$0x0] =	wrdreg $0x0  }
0xa8: {  	s4 =	sshll.u32 s28, $0x1;
	[dreg:$0x2] =	wrdreg s2  }
0xa9: {  	[dreg:$0x3] =	wrdreg s4  }
0xaa: {  	[dreg:$0x4] =	wrdreg $0xC0  }
0xab: {  	_ =	task [dreg:s6], $0x5FFFF  }
0xac: {  	[dreg:$0x1] =	wrdreg $0xFFFFFFFF  }
0xad: {  	[dreg:$0x0] =	wrdreg $0x60  }
0xae: {  	[dreg:$0x2] =	wrdreg s24  }
0xaf: {  	[dreg:$0x3] =	wrdreg $0x68000  }
0xb0: {  	[dreg:$0x4] =	wrdreg $0x9  }
0xb1: {  	_ =	task.clear_ibuf [dreg:s6], $0x5FFFF;
	_ =	strace $0x90000046  }
0xb2: {  	s29 =	simm.s32 $0x9;
	_ =	strace $0x80000048  }
0xb3: {  	_ =	swait.ge [sflag:s29], $0x1  }
0xb4: {  	[sflag:s29] =	ssyncadd.s32 $0xFFFFFFFF  }
0xb5: {  	_ =	strace $0x90000048  }
0xb6: {  	_ =	sfence  }
0xb7: {  	s30 =	sld [smem:$0x0];
	_ =	sdelay $0x2  }
0xb8: {  	s31 =	sshll.u32 s1, $0xD;
	s1 =	sshrl.u32 s1, $0x2  }
0xb9: {  	s3 =	sand.u32 $0x4000, s31;
	s1 =	sadd.s32 s1, s30  }
0xba: {  	s0 =	sor.u32 s3, s0;
	s1 =	sshll.u32 s1, $0x11  }
0xbb: {  	s0 =	sor.u32 s1, s0  }
0xbc: {  	s0 =	sadd.s32 $0x8F2B, s0  }
0xbd: {  	[sflag:s0] =	ssyncadd.remote.s32 $0x1  }
0xbe: {  	_ =	sfence.sel $0xFFFF  }
0xbf: {  	[dreg:$0x0] =	wrdreg $0xFFFFFFFF;
	(pc) =	sbr.abs _section_cstart, $3  }
0xc0: {  	[dreg:$0x1] =	wrdreg $0xFFFFFFFF  }
0xc1: {  	_ =	task.clear_ibuf [dreg:s6], $0x2FFFF;
	_ =	strace $0x9FFFFFFF  }
0xc2: {  	(tm) =	ssettm $0x7FFFFFFF  }
0xc3: {  	_ =	shalt  }
tec
execute0_lowered:
.L_overlay_start_1:
0x0: {  	(tag) =	ssettag $0x1  }
0x1: {  	s6 =	rddreg [dreg:$0x0]  }
0x2: {  	s1 =	rddreg [dreg:$0x1];
	s2 =	srdreg.scid  }
0x3: {  	s0 =	rddreg [dreg:$0x2];
	s3 =	simm.s32 $0x0;
	s13 =	simm.s32 $0x50  }
0x4: {  	s14 =	simm.s32 $0x80;
	s15 =	simm.s32 $0x100;
	s16 =	simm.s32 $0x180  }
0x5: {  	s17 =	simm.s32 $0x200;
	s18 =	simm.s32 $0x1;
	s19 =	simm.s32 $0x2  }
0x6: {  	s20 =	simm.s32 $0x3;
	s21 =	simm.s32 $0x4;
	s7 =	sand.u32 $0x1, s2  }
0x7: {  	s22 =	simm.s32 $0x5;
	s2 =	stileid.u32;
	s5 =	smul.u32 $0x140000, s7  }
0x8: {  	s23 =	simm.s32 $0x0;
	[smem:$0x7FF] =	sst s3;
	s8 =	smul.u32 $0x14000, s2  }
0x9: {  	_ =	strace $0x80000047;
	s4 =	sshll.u32 s2, $0xB;
	s10 =	smul.u32 $0x50000, s2  }
0xa: {  	s28 =	ssub.s32 $0x2, s7;
	s7 =	sshll.u32 s7, $0xF;
	s31 =	sshll.u32 s2, $0x6  }
0xb: {  	s9 =	sadd.s32 s4, s6;
	s4 =	sadd.s32 $0x1CA00, s6;
	s11 =	sshrl.u32 s28, $0x1  }
0xc: {  	s8 =	sadd.s32 s8, s5;
	s5 =	sadd.s32 $0x1D000, s6;
	s7 =	sadd.s32 s7, s9  }
0xd: {  	s29 =	sshrl.u32 s10, $0x2;
	s30 =	ssub.s32 s28, s11;
	s9 =	simm.s32 $0x4000  }
0xe: {  	s10 =	simm.s32 $0x6;
	s11 =	sor.u32 $0x1C06, s31;
	s8 =	sshrl.u32 s8, $0x3  }
0xf: {  	s12 =	sadd.s32 s29, s1;
	s8 =	sadd.s32 s8, s6;
	s6 =	sadd.s32 $0xCA00, s7  }
0x10: {  	s12 =	sshrl.u32 s12, $0x3;
	s7 =	sadd.s32 $0x1F800, s8;
	s8 =	smax.u32 s30, $0x1  }
.LBB2_1:
0x11: {  	[tilespmem:s9], [sflag:$0x6] =	stream.linear.gather [hbm4b:s4+s3], $0x2800, $0x38;
	[tilespmem:$0x1A800] =	vst v63  }
0x12: {  	_ =	swait.ge [sflag:s10], $0x2800  }
0x13: {  	[sflag:s10] =	ssyncset.done $0x0  }
0x14: {  	[sflag:s10] =	ssyncadd.s32 $0xFFFFD800  }
0x15: {  	[tilespmem:s3], [sflag:$0x6] =	stream.linear.gather [hbm4b:s6+s3], $0x3E80, $0x38;
	[tilespmem:$0x1A800] =	vst v63  }
0x16: {  	_ =	swait.ge [sflag:s10], $0x3E80  }
0x17: {  	[sflag:s10] =	ssyncset.done $0x0  }
0x18: {  	[sflag:s10] =	ssyncadd.s32 $0xFFFFC180  }
0x19: {  	[spmem:s12], [sflag:s11] =	dma.local [hbm:s5], $0x2800  }
0x1a: {  	_ =	swait.ge [sflag:s10], $0x2800  }
0x1b: {  	[sflag:s10] =	ssyncset.done $0x0  }
0x1c: {  	[sflag:s10] =	ssyncadd.s32 $0xFFFFD800  }
0x1d: {  	[bflag:$0x0] =	sbarrier.arrive $0xFFFF  }
0x1e: {  	[spmem:s1] =	stream.indirect.scatter.add.f32 [tilespmem:s9], [sflag:$0x1], $0x80, s3, s13, $0xb8;
	[tilespmem:$0x1A800] =	vst v63  }
0x1f: {  	_ = 	snop  }
0x20: {  	[spmem:s1] =	stream.indirect.scatter.add.f32 [tilespmem:s9], [sflag:$0x2], $0x80, s14, s13, $0xb8;
	[tilespmem:$0x1A800] =	vst v63  }
0x21: {  	_ = 	snop  }
0x22: {  	[spmem:s1] =	stream.indirect.scatter.add.f32 [tilespmem:s9], [sflag:$0x3], $0x80, s15, s13, $0xb8;
	[tilespmem:$0x1A800] =	vst v63  }
0x23: {  	_ = 	snop  }
0x24: {  	[spmem:s1] =	stream.indirect.scatter.add.f32 [tilespmem:s9], [sflag:$0x4], $0x80, s16, s13, $0xb8;
	[tilespmem:$0x1A800] =	vst v63  }
0x25: {  	_ = 	snop  }
0x26: {  	[spmem:s1] =	stream.indirect.scatter.add.f32 [tilespmem:s9], [sflag:$0x5], $0x80, s17, s13, $0xb8;
	[tilespmem:$0x1A800] =	vst v63  }
0x27: {  	_ =	swait.ge [sflag:s18], $0x2800  }
0x28: {  	[sflag:s18] =	ssyncset.done $0x0  }
0x29: {  	s24 =	simm.s32 $0x280;
	[sflag:s18] =	ssyncadd.s32 $0xFFFFD800  }
0x2a: {  	[spmem:s1] =	stream.indirect.scatter.add.f32 [tilespmem:s9], [sflag:$0x1], $0x80, s24, s13, $0xb8;
	[tilespmem:$0x1A800] =	vst v63  }
0x2b: {  	_ =	swait.ge [sflag:s19], $0x2800  }
0x2c: {  	[sflag:s19] =	ssyncset.done $0x0  }
0x2d: {  	s29 =	simm.s32 $0x300;
	[sflag:s19] =	ssyncadd.s32 $0xFFFFD800  }
0x2e: {  	[spmem:s1] =	stream.indirect.scatter.add.f32 [tilespmem:s9], [sflag:$0x2], $0x80, s29, s13, $0xb8;
	[tilespmem:$0x1A800] =	vst v63  }
0x2f: {  	_ =	swait.ge [sflag:s20], $0x2800  }
0x30: {  	[sflag:s20] =	ssyncset.done $0x0  }
0x31: {  	s30 =	simm.s32 $0x380;
	[sflag:s20] =	ssyncadd.s32 $0xFFFFD800  }
0x32: {  	[spmem:s1] =	stream.indirect.scatter.add.f32 [tilespmem:s9], [sflag:$0x3], $0x80, s30, s13, $0xb8;
	[tilespmem:$0x1A800] =	vst v63  }
0x33: {  	_ =	swait.ge [sflag:s21], $0x2800  }
0x34: {  	[sflag:s21] =	ssyncset.done $0x0  }
0x35: {  	s31 =	simm.s32 $0x400;
	[sflag:s21] =	ssyncadd.s32 $0xFFFFD800  }
0x36: {  	[spmem:s1] =	stream.indirect.scatter.add.f32 [tilespmem:s9], [sflag:$0x4], $0x80, s31, s13, $0xb8;
	[tilespmem:$0x1A800] =	vst v63  }
0x37: {  	_ =	swait.ge [sflag:s22], $0x2800  }
0x38: {  	[sflag:s22] =	ssyncset.done $0x0  }
0x39: {  	s25 =	simm.s32 $0x480;
	s24 =	simm.s32 $0xFFFF1A00;
	[sflag:s22] =	ssyncadd.s32 $0xFFFFD800  }
.LBB2_2:
0x3a: {  	[spmem:s1] =	stream.indirect.scatter.add.f32 [tilespmem:s9], [sflag:$0x5], $0x80, s25, s13, $0xb8;
	[tilespmem:$0x1A800] =	vst v63  }
0x3b: {  	s25 =	smov.u32 s24  }
0x3c: {  	p0 =	sne.s32 s24, $0xFFFFF600;
	s24 =	sadd.s32 $0xA00, s24;
	_ =	swait.ge [sflag:s18], $0x2800  }
0x3d: {  	s25 =	sshra.s32 s25, $0x2;
	[sflag:s18] =	ssyncset.done $0x0  }
0x3e: {  	s26 =	sadd.s32 $0x3E80, s25;
	[sflag:s18] =	ssyncadd.s32 $0xFFFFD800  }
0x3f: {  	[spmem:s1] =	stream.indirect.scatter.add.f32 [tilespmem:s9], [sflag:$0x1], $0x80, s26, s13, $0xb8;
	[tilespmem:$0x1A800] =	vst v63  }
0x40: {  	_ =	swait.ge [sflag:s19], $0x2800  }
0x41: {  	[sflag:s19] =	ssyncset.done $0x0  }
0x42: {  	s26 =	sadd.s32 $0x3F00, s25;
	[sflag:s19] =	ssyncadd.s32 $0xFFFFD800  }
0x43: {  	[spmem:s1] =	stream.indirect.scatter.add.f32 [tilespmem:s9], [sflag:$0x2], $0x80, s26, s13, $0xb8;
	[tilespmem:$0x1A800] =	vst v63  }
0x44: {  	_ =	swait.ge [sflag:s20], $0x2800  }
0x45: {  	[sflag:s20] =	ssyncset.done $0x0  }
0x46: {  	s26 =	sadd.s32 $0x3F80, s25;
	[sflag:s20] =	ssyncadd.s32 $0xFFFFD800  }
0x47: {  	[spmem:s1] =	stream.indirect.scatter.add.f32 [tilespmem:s9], [sflag:$0x3], $0x80, s26, s13, $0xb8;
	[tilespmem:$0x1A800] =	vst v63  }
0x48: {  	_ =	swait.ge [sflag:s21], $0x2800  }
0x49: {  	[sflag:s21] =	ssyncset.done $0x0  }
.Ltmp0:
0x4a: {  	s26 =	sadd.s32 $0x4000, s25;
	[sflag:s21] =	ssyncadd.s32 $0xFFFFD800;
	(pc) =	sbr.rel @p0 .LBB2_2-.Ltmp0, $4  }
0x4b: {  	[spmem:s1] =	stream.indirect.scatter.add.f32 [tilespmem:s9], [sflag:$0x4], $0x80, s26, s13, $0xb8;
	[tilespmem:$0x1A800] =	vst v63  }
0x4c: {  	_ =	swait.ge [sflag:s22], $0x2800  }
0x4d: {  	[sflag:s22] =	ssyncset.done $0x0  }
0x4e: {  	s25 =	sadd.s32 $0x4080, s25;
	[sflag:s22] =	ssyncadd.s32 $0xFFFFD800  }
0x4f: {  	[spmem:s1] =	stream.indirect.scatter.add.f32 [tilespmem:s9], [sflag:$0x5], $0x80, s25, s13, $0xb8;
	[tilespmem:$0x1A800] =	vst v63  }
0x50: {  	_ =	swait.ge [sflag:s18], $0x2800  }
0x51: {  	[sflag:s18] =	ssyncset.done $0x0  }
0x52: {  	[sflag:s18] =	ssyncadd.s32 $0xFFFFD800  }
0x53: {  	_ =	swait.ge [sflag:s19], $0x2800  }
0x54: {  	[sflag:s19] =	ssyncset.done $0x0  }
0x55: {  	[sflag:s19] =	ssyncadd.s32 $0xFFFFD800  }
0x56: {  	_ =	swait.ge [sflag:s20], $0x2800  }
0x57: {  	[sflag:s20] =	ssyncset.done $0x0  }
0x58: {  	[sflag:s20] =	ssyncadd.s32 $0xFFFFD800  }
0x59: {  	_ =	swait.ge [sflag:s21], $0x2800  }
0x5a: {  	[sflag:s21] =	ssyncset.done $0x0  }
0x5b: {  	[sflag:s21] =	ssyncadd.s32 $0xFFFFD800  }
0x5c: {  	_ =	swait.ge [sflag:s22], $0x2800  }
0x5d: {  	s23 =	sadd.s32 $0x1, s23;
	[sflag:s22] =	ssyncset.done $0x0  }
0x5e: {  	p0 =	sne.s32 s23, s8;
	[sflag:s22] =	ssyncadd.s32 $0xFFFFD800  }
.Ltmp1:
0x5f: {  	[bflag:$0x0] =	sbarrier.arrive $0xFFFF;
	(pc) =	sbr.rel @p0 .LBB2_1-.Ltmp1, $4  }
0x60: {  	[hbm:s7], [sflag:s11] =	dma.local [spmem:s12], $0x2800  }
0x61: {  	_ =	swait.ge [sflag:s10], $0x2800  }
0x62: {  	[sflag:s10] =	ssyncset.done $0x0  }
0x63: {  	[sflag:s10] =	ssyncadd.s32 $0xFFFFD800  }
0x64: {  	_ =	sfence.sel $0x180000  }
0x65: {  	[bflag:$0x0] =	sbarrier.arrive $0xFFFF  }
0x66: {  	p0 =	sne.s32 s2, $0x0;
	_ =	strace $0x90000047  }
0x67: {  	s0 =	sadd.s32 @!p0 $0x100000, s0;
	[bflag:$0x2] =	sbarrier.arrive $0xFFFF  }
0x68: {  	[sflag:s0] =	ssyncadd.tile.s32 @!p0 $0x1;
	_ =	shalt  }
.Lfunc_end2:
_tile_overlayer_lowered:
.L_overlay_start_2:
0x69: {  	(tag) =	ssettag $0x2  }
0x6a: {  	s0 =	rddreg [dreg:$0x0];
	s2 =	stileid.u32  }
0x6b: {  	s1 =	rddreg [dreg:$0x1];
	p0 =	sne.s32 s2, $0x0  }
0x6c: {  	s3 =	rddreg [dreg:$0x2];
	[bflag:$0x3] =	sbarrier.arrive $0xFFFF;
	s2 =	simm.s32 @!p0 $0x1C06  }
0x6d: {  	[timem:s3], [sflag:s2] =	dma.local @!p0 [hbm:s0], s1  }
0x6e: {  	s0 =	simm.s32 @!p0 $0x6  }
0x6f: {  	_ =	swait.ge @!p0 [sflag:s0], s1  }
0x70: {  	s1 =	ssub.s32 @!p0 $0x0, s1;
	[sflag:s0] =	ssyncset.done @!p0 $0x0  }
0x71: {  	[sflag:s0] =	ssyncadd.s32 @!p0 s1  }
0x72: {  	[bflag:$0x3] =	sbarrier.arrive $0xFFFF  }
0x73: {  	_ =	shalt  }

</sc_bundles>
